<compile_context>
chip_gen: v7x
topology: tpu7x:2x2x1
jax: 0.10.2.dev20260603
libtpu: 0.0.44.dev20260713+nightly
codegen_flags: <defaults>
</compile_context>

<pallas_src>
import functools

import jax
import jax.numpy as jnp
from jax import lax
from jax.experimental import pallas as pl
from jax.experimental.pallas import tpu as pltpu
from jax.experimental.pallas import tpu_sc as plsc

_RT = 2048
_KT = 2048


def _argmin_tile(zsq_ref, zb_ref, cbt_ref, csq_ref, cols_ref, idx_ref):
    ktot = cbt_ref.shape[1]
    zsq = zsq_ref[...]
    zb = zb_ref[...]
    rmin = jnp.full((zb.shape[0], 1), jnp.inf, jnp.float32)
    ridx = jnp.zeros((zb.shape[0], 1), jnp.float32)
    lane = cols_ref[:, 0:128]
    for k in range(ktot // _KT):
        zc = lax.dot_general(
            zb, cbt_ref[:, k * _KT:(k + 1) * _KT],
            dimension_numbers=(((1,), (0,)), ((), ())),
            preferred_element_type=jnp.float32)
        mval = (zsq + csq_ref[:, k * _KT:k * _KT + 128]) - zc[:, 0:128]
        mjf = jnp.zeros_like(mval)
        for j in range(1, _KT // 128):
            lo = k * _KT + j * 128
            cur = (zsq + csq_ref[:, lo:lo + 128]) - zc[:, j * 128:(j + 1) * 128]
            lt = cur < mval
            mval = jnp.where(lt, cur, mval)
            mjf = jnp.where(lt, jnp.float32(j), mjf)
        tmin = jnp.min(mval, axis=1, keepdims=True)
        cand = jnp.where(mval == tmin, mjf * 128.0 + lane + jnp.float32(k * _KT),
                         jnp.inf)
        tidx = jnp.min(cand, axis=1, keepdims=True)
        better = tmin < rmin
        rmin = jnp.where(better, tmin.astype(jnp.bfloat16).astype(jnp.float32),
                         rmin)
        ridx = jnp.where(better, tidx, ridx)
    idx_ref[...] = ridx.astype(jnp.int32)


def _nearest_code_indices(zsq, zb, cbt_b, csq):
    n, d = zb.shape
    ktot = cbt_b.shape[1]
    cols = lax.broadcasted_iota(jnp.float32, (1, ktot), 1)
    return pl.pallas_call(
        _argmin_tile,
        grid=(n // _RT,),
        in_specs=[
            pl.BlockSpec((_RT, 1), lambda i: (i, 0)),
            pl.BlockSpec((_RT, d), lambda i: (i, 0)),
            pl.BlockSpec((d, ktot), lambda i: (0, 0)),
            pl.BlockSpec((1, ktot), lambda i: (0, 0)),
            pl.BlockSpec((1, ktot), lambda i: (0, 0)),
        ],
        out_specs=pl.BlockSpec((_RT, 1), lambda i: (i, 0)),
        out_shape=jax.ShapeDtypeStruct((n, 1), jnp.int32),
    )(zsq, zb, cbt_b, csq, cols)


def _gather_codes(codebook, indices):
    n = indices.shape[0]
    d = codebook.shape[1]
    info = plsc.get_sparse_core_info()
    nw = info.num_cores * info.num_subcores
    b_per_w = n // nw
    mesh = plsc.VectorSubcoreMesh(core_axis_name="c", subcore_axis_name="s")

    @functools.partial(
        pl.kernel,
        mesh=mesh,
        out_type=jax.ShapeDtypeStruct((n, d), jnp.float32),
        scratch_types=[
            pltpu.VMEM((b_per_w,), jnp.int32),
            pltpu.VMEM((b_per_w, d), jnp.float32),
            pltpu.SemaphoreType.DMA,
        ],
        compiler_params=pltpu.CompilerParams(use_tc_tiling_on_sc=False),
    )
    def _sc_gather(table_hbm, idx_hbm, out_hbm, idx_v, rows_v, sem):
        wid = lax.axis_index("s") * info.num_cores + lax.axis_index("c")
        base = wid * b_per_w
        pltpu.sync_copy(idx_hbm.at[pl.ds(base, b_per_w)], idx_v)
        pltpu.async_copy(table_hbm.at[idx_v], rows_v, sem).wait()
        pltpu.sync_copy(rows_v, out_hbm.at[pl.ds(base, b_per_w)])

    return _sc_gather(codebook, indices)


def kernel(z, codebook):
    b, s, d = z.shape
    z_flat = z.reshape(b * s, d)
    zsq = (z_flat ** 2).sum(axis=1, keepdims=True)
    csq = (codebook ** 2).sum(axis=1)[None, :]
    zb = (2.0 * z_flat).astype(jnp.bfloat16)
    cbt_b = codebook.T.astype(jnp.bfloat16)
    idx = _nearest_code_indices(zsq, zb, cbt_b, csq).reshape(b * s)
    z_q = _gather_codes(codebook, idx).reshape(b, s, d)
    z_q_st = z + lax.stop_gradient(z_q - z)
    return z_q_st, idx.reshape(b, s)

# --- scband reference (transcript-rebuilt; emitter-appended) ---
"""Pipeline reference for scband-vqhead-ema-44590350467541 (READ-ONLY COPY).

The authoritative reference and input builder live on the scoring server;
editing this copy changes nothing except your own understanding.
"""

import jax, jax.numpy as jnp
import numpy as np

K = 8192
D = 32

def setup_inputs(seed: int = 0) -> dict:
    key = jax.random.key(seed)
    k1, k2 = jax.random.split(key)
    z = jax.random.normal(k1, (8, 1024, D), dtype=jnp.float32)
    codebook = jax.random.normal(k2, (K, D), dtype=jnp.float32)
    return {"z": z, "codebook": codebook}

def reference(z, codebook):
    B, S, d = z.shape
    z_flat = z.reshape(B * S, d)
    # L2 distance: ||z||^2 + ||c||^2 - 2 z.c
    z_sq = (z_flat ** 2).sum(axis=1, keepdims=True)
    c_sq = (codebook ** 2).sum(axis=1)[None, :]
    zc = z_flat @ codebook.T
    dist = z_sq + c_sq - 2.0 * zc
    indices = jnp.argmin(dist, axis=1)
    z_q = jnp.take(codebook, indices, axis=0).reshape(B, S, d)
    # straight-through estimator
    z_q_st = z + jax.lax.stop_gradient(z_q - z)
    return z_q_st, indices.reshape(B, S)

if __name__ == "__main__":
    import jax
    _d = setup_inputs()
    print(jax.jit(kernel)(*tuple(_d.values())))

</pallas_src>

<mosaic_0001>
#map = affine_map<(d0, d1) -> (0, 0)>
#map1 = affine_map<(d0, d1) -> (0)>
module attributes {stable_mosaic.version = 14 : i64} {
  func.func @_sc_gather(%arg0: i32, %arg1: i32, %arg2: memref<8192x32xf32, #tpu.memory_space<hbm>>, %arg3: memref<8192xi32, #tpu.memory_space<hbm>>, %arg4: memref<8192x32xf32, #tpu.memory_space<hbm>>, %arg5: memref<256xi32, #tpu.memory_space<vmem>>, %arg6: memref<256x32xf32, #tpu.memory_space<vmem>>, %arg7: memref<!tpu.dma_semaphore, #tpu.memory_space<semaphore_mem>>) attributes {dimension_semantics = [#tpu.dimension_semantics<core_parallel>, #tpu.dimension_semantics<subcore_parallel>], iteration_bounds = array<i64: 2, 16>, scalar_prefetch = 0 : i64, scratch_operands = 3 : i64, tpu.core_type = #tpu.core_type<sc_vector_subcore>, window_params = [{transform_indices = #map}, {transform_indices = #map1}, {transform_indices = #map}]} {
    %mul3A = arith.constant 2 : i32
    %mul3A_0 = arith.muli %arg1, %mul3A : i32
    %add3A = arith.addi %mul3A_0, %arg0 : i32
    %mul3A_1 = arith.constant 256 : i32
    %mul3A_2 = arith.muli %add3A, %mul3A_1 : i32
    "tpu.region"() ({
      %run_scoped3A = tpu.sem_alloc : memref<!tpu.dma_semaphore, #tpu.memory_space<semaphore_mem>>
      %dma_start3A_7 = tpu.memref_slice %arg3[%mul3A_2] : memref<8192xi32, #tpu.memory_space<hbm>> -> memref<256xi32, #tpu.memory_space<hbm>>
      %dma_start3A_8 = tpu.memref_slice %arg3[%mul3A_2] : memref<8192xi32, #tpu.memory_space<hbm>> -> memref<256xi32, #tpu.memory_space<hbm>>
      tpu.enqueue_dma source(%dma_start3A_8 : memref<256xi32, #tpu.memory_space<hbm>>) target(%arg5 : memref<256xi32, #tpu.memory_space<vmem>>) target_semaphore(%run_scoped3A : memref<!tpu.dma_semaphore, #tpu.memory_space<semaphore_mem>>)
      %dma_wait3A_9 = tpu.memref_slice %arg3[%mul3A_2] : memref<8192xi32, #tpu.memory_space<hbm>> -> memref<256xi32, #tpu.memory_space<hbm>>
      %dma_wait3A_10 = tpu.memref_slice %arg3[%mul3A_2] : memref<8192xi32, #tpu.memory_space<hbm>> -> memref<256xi32, #tpu.memory_space<hbm>>
      tpu.wait_dma2 semaphore(%run_scoped3A : memref<!tpu.dma_semaphore, #tpu.memory_space<semaphore_mem>>) src(%dma_wait3A_10 : memref<256xi32, #tpu.memory_space<hbm>>) dst(%arg5 : memref<256xi32, #tpu.memory_space<vmem>>)
      tpu.yield
    }) : () -> ()
    %dma_start3A = arith.constant 0 : i32
    %dma_start3A_3 = arith.constant 0 : i32
    %dma_start3A_4 = tpu.memref_slice %arg2[%dma_start3A, %dma_start3A_3] : memref<8192x32xf32, #tpu.memory_space<hbm>> -> memref<8192x32xf32, #tpu.memory_space<hbm>>
    tpu.enqueue_indirect_dma source(%dma_start3A_4 : memref<8192x32xf32, #tpu.memory_space<hbm>>) target(%arg6 : memref<256x32xf32, #tpu.memory_space<vmem>>) offsets(%arg5 : memref<256xi32, #tpu.memory_space<vmem>>) semaphore(%arg7 : memref<!tpu.dma_semaphore, #tpu.memory_space<semaphore_mem>>)
    %dma_wait3A = arith.constant 0 : i32
    %dma_wait3A_5 = arith.constant 0 : i32
    %dma_wait3A_6 = tpu.memref_slice %arg2[%dma_wait3A, %dma_wait3A_5] : memref<8192x32xf32, #tpu.memory_space<hbm>> -> memref<8192x32xf32, #tpu.memory_space<hbm>>
    tpu.wait_indirect_dma semaphore(%arg7 : memref<!tpu.dma_semaphore, #tpu.memory_space<semaphore_mem>>) src(%dma_wait3A_6 : memref<8192x32xf32, #tpu.memory_space<hbm>>) dst(%arg6 : memref<256x32xf32, #tpu.memory_space<vmem>>)
    "tpu.region"() ({
      %run_scoped3A = tpu.sem_alloc : memref<!tpu.dma_semaphore, #tpu.memory_space<semaphore_mem>>
      %dma_start3A_7 = arith.constant 0 : i32
      %dma_start3A_8 = tpu.memref_slice %arg4[%mul3A_2, %dma_start3A_7] : memref<8192x32xf32, #tpu.memory_space<hbm>> -> memref<256x32xf32, #tpu.memory_space<hbm>>
      %dma_start3A_9 = arith.constant 0 : i32
      %dma_start3A_10 = tpu.memref_slice %arg4[%mul3A_2, %dma_start3A_9] : memref<8192x32xf32, #tpu.memory_space<hbm>> -> memref<256x32xf32, #tpu.memory_space<hbm>>
      tpu.enqueue_dma source(%arg6 : memref<256x32xf32, #tpu.memory_space<vmem>>) target(%dma_start3A_10 : memref<256x32xf32, #tpu.memory_space<hbm>>) target_semaphore(%run_scoped3A : memref<!tpu.dma_semaphore, #tpu.memory_space<semaphore_mem>>)
      %dma_wait3A_11 = arith.constant 0 : i32
      %dma_wait3A_12 = tpu.memref_slice %arg4[%mul3A_2, %dma_wait3A_11] : memref<8192x32xf32, #tpu.memory_space<hbm>> -> memref<256x32xf32, #tpu.memory_space<hbm>>
      %dma_wait3A_13 = arith.constant 0 : i32
      %dma_wait3A_14 = tpu.memref_slice %arg4[%mul3A_2, %dma_wait3A_13] : memref<8192x32xf32, #tpu.memory_space<hbm>> -> memref<256x32xf32, #tpu.memory_space<hbm>>
      tpu.wait_dma2 semaphore(%run_scoped3A : memref<!tpu.dma_semaphore, #tpu.memory_space<semaphore_mem>>) src(%arg6 : memref<256x32xf32, #tpu.memory_space<vmem>>) dst(%dma_wait3A_14 : memref<256x32xf32, #tpu.memory_space<hbm>>)
      tpu.yield
    }) : () -> ()
    return
  }
}

module attributes {stable_mosaic.version = 14 : i64} {
  func.func @_argmin_tile(%arg0: i32, %arg1: memref<2048x1xf32, #tpu.memory_space<vmem>>, %arg2: memref<2048x32xbf16, #tpu.memory_space<vmem>>, %arg3: memref<32x8192xbf16, #tpu.memory_space<vmem>>, %arg4: memref<1x8192xf32, #tpu.memory_space<vmem>>, %arg5: memref<1x8192xf32, #tpu.memory_space<vmem>>, %arg6: memref<2048x1xi32, #tpu.memory_space<vmem>>) attributes {dimension_semantics = [#tpu.dimension_semantics<arbitrary>], iteration_bounds = array<i64: 4>, scalar_prefetch = 0 : i64, scratch_operands = 0 : i64, tpu.core_type = #tpu.core_type<tc>, window_params = [{transform_indices = @transform_0, window_bounds = array<i64: 2048, 1>}, {transform_indices = @transform_1, window_bounds = array<i64: 2048, 32>}, {pipeline_mode = #tpu.pipeline_mode<synchronous>, transform_indices = @transform_2, window_bounds = array<i64: 32, 8192>}, {pipeline_mode = #tpu.pipeline_mode<synchronous>, transform_indices = @transform_3, window_bounds = array<i64: 1, 8192>}, {pipeline_mode = #tpu.pipeline_mode<synchronous>, transform_indices = @transform_4, window_bounds = array<i64: 1, 8192>}, {transform_indices = @transform_5, window_bounds = array<i64: 2048, 1>}]} {
    %get3A = arith.constant 0 : index
    %get3A_0 = arith.constant 0 : index
    %get3A_1 = vector.load %arg1[%get3A, %get3A_0] : memref<2048x1xf32, #tpu.memory_space<vmem>>, vector<2048x1xf32>
    %get3A_2 = arith.constant 0 : index
    %get3A_3 = arith.constant 0 : index
    %get3A_4 = vector.load %arg2[%get3A_2, %get3A_3] : memref<2048x32xbf16, #tpu.memory_space<vmem>>, vector<2048x32xbf16>
    %broadcast_in_dim3A = arith.constant 0x7F800000 : f32
    %broadcast_in_dim3A_5 = vector.broadcast %broadcast_in_dim3A : f32 to vector<2048x1xf32>
    %broadcast_in_dim3A_6 = arith.constant 0.000000e+00 : f32
    %broadcast_in_dim3A_7 = vector.broadcast %broadcast_in_dim3A_6 : f32 to vector<2048x1xf32>
    %get3A_8 = arith.constant 0 : index
    %get3A_9 = arith.constant 0 : index
    %get3A_10 = vector.load %arg5[%get3A_8, %get3A_9] : memref<1x8192xf32, #tpu.memory_space<vmem>>, vector<1x128xf32>
    %get3A_11 = arith.constant 0 : index
    %get3A_12 = arith.constant 0 : index
    %get3A_13 = vector.load %arg3[%get3A_11, %get3A_12] : memref<32x8192xbf16, #tpu.memory_space<vmem>>, vector<32x2048xbf16>
    %dot_general3A = arith.constant dense<0.000000e+00> : vector<2048x2048xf32>
    %dot_general3A_14 = tpu.matmul %get3A_4, %get3A_13, %dot_general3A {dimension_numbers = #tpu.dot_dimension_numbers<[1], [0], [0], [1], [0, 0, 1, 1], [], []>, transpose_lhs_hint = false} : vector<2048x32xbf16>, vector<32x2048xbf16>, vector<2048x2048xf32> -> vector<2048x2048xf32>
    %get3A_15 = arith.constant 0 : index
    %get3A_16 = arith.constant 0 : index
    %get3A_17 = vector.load %arg4[%get3A_15, %get3A_16] : memref<1x8192xf32, #tpu.memory_space<vmem>>, vector<1x128xf32>
    %add3A = vector.broadcast %get3A_1 : vector<2048x1xf32> to vector<2048x128xf32>
    %add3A_18 = vector.broadcast %get3A_17 : vector<1x128xf32> to vector<2048x128xf32>
    %add3A_19 = arith.addf %add3A, %add3A_18 : vector<2048x128xf32>
    %slice3A = vector.extract_strided_slice %dot_general3A_14 {offsets = [0, 0], sizes = [2048, 128], strides = [1, 1]} : vector<2048x2048xf32> to vector<2048x128xf32>
    %sub3A = arith.subf %add3A_19, %slice3A : vector<2048x128xf32>
    %broadcast_in_dim3A_20 = arith.constant 0.000000e+00 : f32
    %broadcast_in_dim3A_21 = vector.broadcast %broadcast_in_dim3A_20 : f32 to vector<2048x128xf32>
    %get3A_22 = arith.constant 0 : index
    %get3A_23 = arith.constant 128 : index
    %get3A_24 = vector.load %arg4[%get3A_22, %get3A_23] : memref<1x8192xf32, #tpu.memory_space<vmem>>, vector<1x128xf32>
    %add3A_25 = vector.broadcast %get3A_1 : vector<2048x1xf32> to vector<2048x128xf32>
    %add3A_26 = vector.broadcast %get3A_24 : vector<1x128xf32> to vector<2048x128xf32>
    %add3A_27 = arith.addf %add3A_25, %add3A_26 : vector<2048x128xf32>
    %slice3A_28 = vector.extract_strided_slice %dot_general3A_14 {offsets = [0, 128], sizes = [2048, 128], strides = [1, 1]} : vector<2048x2048xf32> to vector<2048x128xf32>
    %sub3A_29 = arith.subf %add3A_27, %slice3A_28 : vector<2048x128xf32>
    %lt3A = arith.cmpf olt, %sub3A_29, %sub3A : vector<2048x128xf32>
    %select_n3A = arith.select %lt3A, %sub3A_29, %sub3A : vector<2048x128xi1>, vector<2048x128xf32>
    %jit3A = arith.constant 1.000000e+00 : f32
    %broadcast_in_dim3A_30 = vector.broadcast %jit3A : f32 to vector<2048x128xf32>
    %select_n3A_31 = arith.select %lt3A, %broadcast_in_dim3A_30, %broadcast_in_dim3A_21 : vector<2048x128xi1>, vector<2048x128xf32>
    %get3A_32 = arith.constant 0 : index
    %get3A_33 = arith.constant 256 : index
    %get3A_34 = vector.load %arg4[%get3A_32, %get3A_33] : memref<1x8192xf32, #tpu.memory_space<vmem>>, vector<1x128xf32>
    %add3A_35 = vector.broadcast %get3A_1 : vector<2048x1xf32> to vector<2048x128xf32>
    %add3A_36 = vector.broadcast %get3A_34 : vector<1x128xf32> to vector<2048x128xf32>
    %add3A_37 = arith.addf %add3A_35, %add3A_36 : vector<2048x128xf32>
    %slice3A_38 = vector.extract_strided_slice %dot_general3A_14 {offsets = [0, 256], sizes = [2048, 128], strides = [1, 1]} : vector<2048x2048xf32> to vector<2048x128xf32>
    %sub3A_39 = arith.subf %add3A_37, %slice3A_38 : vector<2048x128xf32>
    %lt3A_40 = arith.cmpf olt, %sub3A_39, %select_n3A : vector<2048x128xf32>
    %select_n3A_41 = arith.select %lt3A_40, %sub3A_39, %select_n3A : vector<2048x128xi1>, vector<2048x128xf32>
    %jit3A_42 = arith.constant 2.000000e+00 : f32
    %broadcast_in_dim3A_43 = vector.broadcast %jit3A_42 : f32 to vector<2048x128xf32>
    %select_n3A_44 = arith.select %lt3A_40, %broadcast_in_dim3A_43, %select_n3A_31 : vector<2048x128xi1>, vector<2048x128xf32>
    %get3A_45 = arith.constant 0 : index
    %get3A_46 = arith.constant 384 : index
    %get3A_47 = vector.load %arg4[%get3A_45, %get3A_46] : memref<1x8192xf32, #tpu.memory_space<vmem>>, vector<1x128xf32>
    %add3A_48 = vector.broadcast %get3A_1 : vector<2048x1xf32> to vector<2048x128xf32>
    %add3A_49 = vector.broadcast %get3A_47 : vector<1x128xf32> to vector<2048x128xf32>
    %add3A_50 = arith.addf %add3A_48, %add3A_49 : vector<2048x128xf32>
    %slice3A_51 = vector.extract_strided_slice %dot_general3A_14 {offsets = [0, 384], sizes = [2048, 128], strides = [1, 1]} : vector<2048x2048xf32> to vector<2048x128xf32>
    %sub3A_52 = arith.subf %add3A_50, %slice3A_51 : vector<2048x128xf32>
    %lt3A_53 = arith.cmpf olt, %sub3A_52, %select_n3A_41 : vector<2048x128xf32>
    %select_n3A_54 = arith.select %lt3A_53, %sub3A_52, %select_n3A_41 : vector<2048x128xi1>, vector<2048x128xf32>
    %jit3A_55 = arith.constant 3.000000e+00 : f32
    %broadcast_in_dim3A_56 = vector.broadcast %jit3A_55 : f32 to vector<2048x128xf32>
    %select_n3A_57 = arith.select %lt3A_53, %broadcast_in_dim3A_56, %select_n3A_44 : vector<2048x128xi1>, vector<2048x128xf32>
    %get3A_58 = arith.constant 0 : index
    %get3A_59 = arith.constant 512 : index
    %get3A_60 = vector.load %arg4[%get3A_58, %get3A_59] : memref<1x8192xf32, #tpu.memory_space<vmem>>, vector<1x128xf32>
    %add3A_61 = vector.broadcast %get3A_1 : vector<2048x1xf32> to vector<2048x128xf32>
    %add3A_62 = vector.broadcast %get3A_60 : vector<1x128xf32> to vector<2048x128xf32>
    %add3A_63 = arith.addf %add3A_61, %add3A_62 : vector<2048x128xf32>
    %slice3A_64 = vector.extract_strided_slice %dot_general3A_14 {offsets = [0, 512], sizes = [2048, 128], strides = [1, 1]} : vector<2048x2048xf32> to vector<2048x128xf32>
    %sub3A_65 = arith.subf %add3A_63, %slice3A_64 : vector<2048x128xf32>
    %lt3A_66 = arith.cmpf olt, %sub3A_65, %select_n3A_54 : vector<2048x128xf32>
    %select_n3A_67 = arith.select %lt3A_66, %sub3A_65, %select_n3A_54 : vector<2048x128xi1>, vector<2048x128xf32>
    %jit3A_68 = arith.constant 4.000000e+00 : f32
    %broadcast_in_dim3A_69 = vector.broadcast %jit3A_68 : f32 to vector<2048x128xf32>
    %select_n3A_70 = arith.select %lt3A_66, %broadcast_in_dim3A_69, %select_n3A_57 : vector<2048x128xi1>, vector<2048x128xf32>
    %get3A_71 = arith.constant 0 : index
    %get3A_72 = arith.constant 640 : index
    %get3A_73 = vector.load %arg4[%get3A_71, %get3A_72] : memref<1x8192xf32, #tpu.memory_space<vmem>>, vector<1x128xf32>
    %add3A_74 = vector.broadcast %get3A_1 : vector<2048x1xf32> to vector<2048x128xf32>
    %add3A_75 = vector.broadcast %get3A_73 : vector<1x128xf32> to vector<2048x128xf32>
    %add3A_76 = arith.addf %add3A_74, %add3A_75 : vector<2048x128xf32>
    %slice3A_77 = vector.extract_strided_slice %dot_general3A_14 {offsets = [0, 640], sizes = [2048, 128], strides = [1, 1]} : vector<2048x2048xf32> to vector<2048x128xf32>
    %sub3A_78 = arith.subf %add3A_76, %slice3A_77 : vector<2048x128xf32>
    %lt3A_79 = arith.cmpf olt, %sub3A_78, %select_n3A_67 : vector<2048x128xf32>
    %select_n3A_80 = arith.select %lt3A_79, %sub3A_78, %select_n3A_67 : vector<2048x128xi1>, vector<2048x128xf32>
    %jit3A_81 = arith.constant 5.000000e+00 : f32
    %broadcast_in_dim3A_82 = vector.broadcast %jit3A_81 : f32 to vector<2048x128xf32>
    %select_n3A_83 = arith.select %lt3A_79, %broadcast_in_dim3A_82, %select_n3A_70 : vector<2048x128xi1>, vector<2048x128xf32>
    %get3A_84 = arith.constant 0 : index
    %get3A_85 = arith.constant 768 : index
    %get3A_86 = vector.load %arg4[%get3A_84, %get3A_85] : memref<1x8192xf32, #tpu.memory_space<vmem>>, vector<1x128xf32>
    %add3A_87 = vector.broadcast %get3A_1 : vector<2048x1xf32> to vector<2048x128xf32>
    %add3A_88 = vector.broadcast %get3A_86 : vector<1x128xf32> to vector<2048x128xf32>
    %add3A_89 = arith.addf %add3A_87, %add3A_88 : vector<2048x128xf32>
    %slice3A_90 = vector.extract_strided_slice %dot_general3A_14 {offsets = [0, 768], sizes = [2048, 128], strides = [1, 1]} : vector<2048x2048xf32> to vector<2048x128xf32>
    %sub3A_91 = arith.subf %add3A_89, %slice3A_90 : vector<2048x128xf32>
    %lt3A_92 = arith.cmpf olt, %sub3A_91, %select_n3A_80 : vector<2048x128xf32>
    %select_n3A_93 = arith.select %lt3A_92, %sub3A_91, %select_n3A_80 : vector<2048x128xi1>, vector<2048x128xf32>
    %jit3A_94 = arith.constant 6.000000e+00 : f32
    %broadcast_in_dim3A_95 = vector.broadcast %jit3A_94 : f32 to vector<2048x128xf32>
    %select_n3A_96 = arith.select %lt3A_92, %broadcast_in_dim3A_95, %select_n3A_83 : vector<2048x128xi1>, vector<2048x128xf32>
    %get3A_97 = arith.constant 0 : index
    %get3A_98 = arith.constant 896 : index
    %get3A_99 = vector.load %arg4[%get3A_97, %get3A_98] : memref<1x8192xf32, #tpu.memory_space<vmem>>, vector<1x128xf32>
    %add3A_100 = vector.broadcast %get3A_1 : vector<2048x1xf32> to vector<2048x128xf32>
    %add3A_101 = vector.broadcast %get3A_99 : vector<1x128xf32> to vector<2048x128xf32>
    %add3A_102 = arith.addf %add3A_100, %add3A_101 : vector<2048x128xf32>
    %slice3A_103 = vector.extract_strided_slice %dot_general3A_14 {offsets = [0, 896], sizes = [2048, 128], strides = [1, 1]} : vector<2048x2048xf32> to vector<2048x128xf32>
    %sub3A_104 = arith.subf %add3A_102, %slice3A_103 : vector<2048x128xf32>
    %lt3A_105 = arith.cmpf olt, %sub3A_104, %select_n3A_93 : vector<2048x128xf32>
    %select_n3A_106 = arith.select %lt3A_105, %sub3A_104, %select_n3A_93 : vector<2048x128xi1>, vector<2048x128xf32>
    %jit3A_107 = arith.constant 7.000000e+00 : f32
    %broadcast_in_dim3A_108 = vector.broadcast %jit3A_107 : f32 to vector<2048x128xf32>
    %select_n3A_109 = arith.select %lt3A_105, %broadcast_in_dim3A_108, %select_n3A_96 : vector<2048x128xi1>, vector<2048x128xf32>
    %get3A_110 = arith.constant 0 : index
    %get3A_111 = arith.constant 1024 : index
    %get3A_112 = vector.load %arg4[%get3A_110, %get3A_111] : memref<1x8192xf32, #tpu.memory_space<vmem>>, vector<1x128xf32>
    %add3A_113 = vector.broadcast %get3A_1 : vector<2048x1xf32> to vector<2048x128xf32>
    %add3A_114 = vector.broadcast %get3A_112 : vector<1x128xf32> to vector<2048x128xf32>
    %add3A_115 = arith.addf %add3A_113, %add3A_114 : vector<2048x128xf32>
    %slice3A_116 = vector.extract_strided_slice %dot_general3A_14 {offsets = [0, 1024], sizes = [2048, 128], strides = [1, 1]} : vector<2048x2048xf32> to vector<2048x128xf32>
    %sub3A_117 = arith.subf %add3A_115, %slice3A_116 : vector<2048x128xf32>
    %lt3A_118 = arith.cmpf olt, %sub3A_117, %select_n3A_106 : vector<2048x128xf32>
    %select_n3A_119 = arith.select %lt3A_118, %sub3A_117, %select_n3A_106 : vector<2048x128xi1>, vector<2048x128xf32>
    %jit3A_120 = arith.constant 8.000000e+00 : f32
    %broadcast_in_dim3A_121 = vector.broadcast %jit3A_120 : f32 to vector<2048x128xf32>
    %select_n3A_122 = arith.select %lt3A_118, %broadcast_in_dim3A_121, %select_n3A_109 : vector<2048x128xi1>, vector<2048x128xf32>
    %get3A_123 = arith.constant 0 : index
    %get3A_124 = arith.constant 1152 : index
    %get3A_125 = vector.load %arg4[%get3A_123, %get3A_124] : memref<1x8192xf32, #tpu.memory_space<vmem>>, vector<1x128xf32>
    %add3A_126 = vector.broadcast %get3A_1 : vector<2048x1xf32> to vector<2048x128xf32>
    %add3A_127 = vector.broadcast %get3A_125 : vector<1x128xf32> to vector<2048x128xf32>
    %add3A_128 = arith.addf %add3A_126, %add3A_127 : vector<2048x128xf32>
    %slice3A_129 = vector.extract_strided_slice %dot_general3A_14 {offsets = [0, 1152], sizes = [2048, 128], strides = [1, 1]} : vector<2048x2048xf32> to vector<2048x128xf32>
    %sub3A_130 = arith.subf %add3A_128, %slice3A_129 : vector<2048x128xf32>
    %lt3A_131 = arith.cmpf olt, %sub3A_130, %select_n3A_119 : vector<2048x128xf32>
    %select_n3A_132 = arith.select %lt3A_131, %sub3A_130, %select_n3A_119 : vector<2048x128xi1>, vector<2048x128xf32>
    %jit3A_133 = arith.constant 9.000000e+00 : f32
    %broadcast_in_dim3A_134 = vector.broadcast %jit3A_133 : f32 to vector<2048x128xf32>
    %select_n3A_135 = arith.select %lt3A_131, %broadcast_in_dim3A_134, %select_n3A_122 : vector<2048x128xi1>, vector<2048x128xf32>
    %get3A_136 = arith.constant 0 : index
    %get3A_137 = arith.constant 1280 : index
    %get3A_138 = vector.load %arg4[%get3A_136, %get3A_137] : memref<1x8192xf32, #tpu.memory_space<vmem>>, vector<1x128xf32>
    %add3A_139 = vector.broadcast %get3A_1 : vector<2048x1xf32> to vector<2048x128xf32>
    %add3A_140 = vector.broadcast %get3A_138 : vector<1x128xf32> to vector<2048x128xf32>
    %add3A_141 = arith.addf %add3A_139, %add3A_140 : vector<2048x128xf32>
    %slice3A_142 = vector.extract_strided_slice %dot_general3A_14 {offsets = [0, 1280], sizes = [2048, 128], strides = [1, 1]} : vector<2048x2048xf32> to vector<2048x128xf32>
    %sub3A_143 = arith.subf %add3A_141, %slice3A_142 : vector<2048x128xf32>
    %lt3A_144 = arith.cmpf olt, %sub3A_143, %select_n3A_132 : vector<2048x128xf32>
    %select_n3A_145 = arith.select %lt3A_144, %sub3A_143, %select_n3A_132 : vector<2048x128xi1>, vector<2048x128xf32>
    %jit3A_146 = arith.constant 1.000000e+01 : f32
    %broadcast_in_dim3A_147 = vector.broadcast %jit3A_146 : f32 to vector<2048x128xf32>
    %select_n3A_148 = arith.select %lt3A_144, %broadcast_in_dim3A_147, %select_n3A_135 : vector<2048x128xi1>, vector<2048x128xf32>
    %get3A_149 = arith.constant 0 : index
    %get3A_150 = arith.constant 1408 : index
    %get3A_151 = vector.load %arg4[%get3A_149, %get3A_150] : memref<1x8192xf32, #tpu.memory_space<vmem>>, vector<1x128xf32>
    %add3A_152 = vector.broadcast %get3A_1 : vector<2048x1xf32> to vector<2048x128xf32>
    %add3A_153 = vector.broadcast %get3A_151 : vector<1x128xf32> to vector<2048x128xf32>
    %add3A_154 = arith.addf %add3A_152, %add3A_153 : vector<2048x128xf32>
    %slice3A_155 = vector.extract_strided_slice %dot_general3A_14 {offsets = [0, 1408], sizes = [2048, 128], strides = [1, 1]} : vector<2048x2048xf32> to vector<2048x128xf32>
    %sub3A_156 = arith.subf %add3A_154, %slice3A_155 : vector<2048x128xf32>
    %lt3A_157 = arith.cmpf olt, %sub3A_156, %select_n3A_145 : vector<2048x128xf32>
    %select_n3A_158 = arith.select %lt3A_157, %sub3A_156, %select_n3A_145 : vector<2048x128xi1>, vector<2048x128xf32>
    %jit3A_159 = arith.constant 1.100000e+01 : f32
    %broadcast_in_dim3A_160 = vector.broadcast %jit3A_159 : f32 to vector<2048x128xf32>
    %select_n3A_161 = arith.select %lt3A_157, %broadcast_in_dim3A_160, %select_n3A_148 : vector<2048x128xi1>, vector<2048x128xf32>
    %get3A_162 = arith.constant 0 : index
    %get3A_163 = arith.constant 1536 : index
    %get3A_164 = vector.load %arg4[%get3A_162, %get3A_163] : memref<1x8192xf32, #tpu.memory_space<vmem>>, vector<1x128xf32>
    %add3A_165 = vector.broadcast %get3A_1 : vector<2048x1xf32> to vector<2048x128xf32>
    %add3A_166 = vector.broadcast %get3A_164 : vector<1x128xf32> to vector<2048x128xf32>
    %add3A_167 = arith.addf %add3A_165, %add3A_166 : vector<2048x128xf32>
    %slice3A_168 = vector.extract_strided_slice %dot_general3A_14 {offsets = [0, 1536], sizes = [2048, 128], strides = [1, 1]} : vector<2048x2048xf32> to vector<2048x128xf32>
    %sub3A_169 = arith.subf %add3A_167, %slice3A_168 : vector<2048x128xf32>
    %lt3A_170 = arith.cmpf olt, %sub3A_169, %select_n3A_158 : vector<2048x128xf32>
    %select_n3A_171 = arith.select %lt3A_170, %sub3A_169, %select_n3A_158 : vector<2048x128xi1>, vector<2048x128xf32>
    %jit3A_172 = arith.constant 1.200000e+01 : f32
    %broadcast_in_dim3A_173 = vector.broadcast %jit3A_172 : f32 to vector<2048x128xf32>
    %select_n3A_174 = arith.select %lt3A_170, %broadcast_in_dim3A_173, %select_n3A_161 : vector<2048x128xi1>, vector<2048x128xf32>
    %get3A_175 = arith.constant 0 : index
    %get3A_176 = arith.constant 1664 : index
    %get3A_177 = vector.load %arg4[%get3A_175, %get3A_176] : memref<1x8192xf32, #tpu.memory_space<vmem>>, vector<1x128xf32>
    %add3A_178 = vector.broadcast %get3A_1 : vector<2048x1xf32> to vector<2048x128xf32>
    %add3A_179 = vector.broadcast %get3A_177 : vector<1x128xf32> to vector<2048x128xf32>
    %add3A_180 = arith.addf %add3A_178, %add3A_179 : vector<2048x128xf32>
    %slice3A_181 = vector.extract_strided_slice %dot_general3A_14 {offsets = [0, 1664], sizes = [2048, 128], strides = [1, 1]} : vector<2048x2048xf32> to vector<2048x128xf32>
    %sub3A_182 = arith.subf %add3A_180, %slice3A_181 : vector<2048x128xf32>
    %lt3A_183 = arith.cmpf olt, %sub3A_182, %select_n3A_171 : vector<2048x128xf32>
    %select_n3A_184 = arith.select %lt3A_183, %sub3A_182, %select_n3A_171 : vector<2048x128xi1>, vector<2048x128xf32>
    %jit3A_185 = arith.constant 1.300000e+01 : f32
    %broadcast_in_dim3A_186 = vector.broadcast %jit3A_185 : f32 to vector<2048x128xf32>
    %select_n3A_187 = arith.select %lt3A_183, %broadcast_in_dim3A_186, %select_n3A_174 : vector<2048x128xi1>, vector<2048x128xf32>
    %get3A_188 = arith.constant 0 : index
    %get3A_189 = arith.constant 1792 : index
    %get3A_190 = vector.load %arg4[%get3A_188, %get3A_189] : memref<1x8192xf32, #tpu.memory_space<vmem>>, vector<1x128xf32>
    %add3A_191 = vector.broadcast %get3A_1 : vector<2048x1xf32> to vector<2048x128xf32>
    %add3A_192 = vector.broadcast %get3A_190 : vector<1x128xf32> to vector<2048x128xf32>
    %add3A_193 = arith.addf %add3A_191, %add3A_192 : vector<2048x128xf32>
    %slice3A_194 = vector.extract_strided_slice %dot_general3A_14 {offsets = [0, 1792], sizes = [2048, 128], strides = [1, 1]} : vector<2048x2048xf32> to vector<2048x128xf32>
    %sub3A_195 = arith.subf %add3A_193, %slice3A_194 : vector<2048x128xf32>
    %lt3A_196 = arith.cmpf olt, %sub3A_195, %select_n3A_184 : vector<2048x128xf32>
    %select_n3A_197 = arith.select %lt3A_196, %sub3A_195, %select_n3A_184 : vector<2048x128xi1>, vector<2048x128xf32>
    %jit3A_198 = arith.constant 1.400000e+01 : f32
    %broadcast_in_dim3A_199 = vector.broadcast %jit3A_198 : f32 to vector<2048x128xf32>
    %select_n3A_200 = arith.select %lt3A_196, %broadcast_in_dim3A_199, %select_n3A_187 : vector<2048x128xi1>, vector<2048x128xf32>
    %get3A_201 = arith.constant 0 : index
    %get3A_202 = arith.constant 1920 : index
    %get3A_203 = vector.load %arg4[%get3A_201, %get3A_202] : memref<1x8192xf32, #tpu.memory_space<vmem>>, vector<1x128xf32>
    %add3A_204 = vector.broadcast %get3A_1 : vector<2048x1xf32> to vector<2048x128xf32>
    %add3A_205 = vector.broadcast %get3A_203 : vector<1x128xf32> to vector<2048x128xf32>
    %add3A_206 = arith.addf %add3A_204, %add3A_205 : vector<2048x128xf32>
    %slice3A_207 = vector.extract_strided_slice %dot_general3A_14 {offsets = [0, 1920], sizes = [2048, 128], strides = [1, 1]} : vector<2048x2048xf32> to vector<2048x128xf32>
    %sub3A_208 = arith.subf %add3A_206, %slice3A_207 : vector<2048x128xf32>
    %lt3A_209 = arith.cmpf olt, %sub3A_208, %select_n3A_197 : vector<2048x128xf32>
    %select_n3A_210 = arith.select %lt3A_209, %sub3A_208, %select_n3A_197 : vector<2048x128xi1>, vector<2048x128xf32>
    %jit3A_211 = arith.constant 1.500000e+01 : f32
    %broadcast_in_dim3A_212 = vector.broadcast %jit3A_211 : f32 to vector<2048x128xf32>
    %select_n3A_213 = arith.select %lt3A_209, %broadcast_in_dim3A_212, %select_n3A_200 : vector<2048x128xi1>, vector<2048x128xf32>
    %reduce_min3A = arith.constant dense<0x7F800000> : vector<2048xf32>
    %reduce_min3A_214 = vector.multi_reduction <minimumf>, %select_n3A_210, %reduce_min3A [1] : vector<2048x128xf32> to vector<2048xf32>
    %broadcast_in_dim3A_215 = vector.shape_cast %reduce_min3A_214 : vector<2048xf32> to vector<2048x1xf32>
    %eq3A = vector.broadcast %broadcast_in_dim3A_215 : vector<2048x1xf32> to vector<2048x128xf32>
    %eq3A_216 = arith.cmpf oeq, %select_n3A_210, %eq3A : vector<2048x128xf32>
    %mul3A = arith.constant 1.280000e+02 : f32
    %mul3A_217 = vector.broadcast %mul3A : f32 to vector<2048x128xf32>
    %mul3A_218 = arith.mulf %select_n3A_213, %mul3A_217 : vector<2048x128xf32>
    %add3A_219 = vector.broadcast %get3A_10 : vector<1x128xf32> to vector<2048x128xf32>
    %add3A_220 = arith.addf %mul3A_218, %add3A_219 : vector<2048x128xf32>
    %add3A_221 = arith.constant 0.000000e+00 : f32
    %add3A_222 = vector.broadcast %add3A_221 : f32 to vector<2048x128xf32>
    %add3A_223 = arith.addf %add3A_220, %add3A_222 : vector<2048x128xf32>
    %jit3A_224 = arith.constant 0x7F800000 : f32
    %broadcast_in_dim3A_225 = vector.broadcast %jit3A_224 : f32 to vector<2048x128xf32>
    %select_n3A_226 = arith.select %eq3A_216, %add3A_223, %broadcast_in_dim3A_225 : vector<2048x128xi1>, vector<2048x128xf32>
    %reduce_min3A_227 = arith.constant dense<0x7F800000> : vector<2048xf32>
    %reduce_min3A_228 = vector.multi_reduction <minimumf>, %select_n3A_226, %reduce_min3A_227 [1] : vector<2048x128xf32> to vector<2048xf32>
    %broadcast_in_dim3A_229 = vector.shape_cast %reduce_min3A_228 : vector<2048xf32> to vector<2048x1xf32>
    %lt3A_230 = arith.cmpf olt, %broadcast_in_dim3A_215, %broadcast_in_dim3A_5 : vector<2048x1xf32>
    %convert_element_type3A = arith.truncf %broadcast_in_dim3A_215 : vector<2048x1xf32> to vector<2048x1xbf16>
    %convert_element_type3A_231 = arith.extf %convert_element_type3A : vector<2048x1xbf16> to vector<2048x1xf32>
    %select_n3A_232 = arith.select %lt3A_230, %convert_element_type3A_231, %broadcast_in_dim3A_5 : vector<2048x1xi1>, vector<2048x1xf32>
    %select_n3A_233 = arith.select %lt3A_230, %broadcast_in_dim3A_229, %broadcast_in_dim3A_7 : vector<2048x1xi1>, vector<2048x1xf32>
    %get3A_234 = arith.constant 0 : index
    %get3A_235 = arith.constant 2048 : index
    %get3A_236 = vector.load %arg3[%get3A_234, %get3A_235] : memref<32x8192xbf16, #tpu.memory_space<vmem>>, vector<32x2048xbf16>
    %dot_general3A_237 = arith.constant dense<0.000000e+00> : vector<2048x2048xf32>
    %dot_general3A_238 = tpu.matmul %get3A_4, %get3A_236, %dot_general3A_237 {dimension_numbers = #tpu.dot_dimension_numbers<[1], [0], [0], [1], [0, 0, 1, 1], [], []>, transpose_lhs_hint = false} : vector<2048x32xbf16>, vector<32x2048xbf16>, vector<2048x2048xf32> -> vector<2048x2048xf32>
    %get3A_239 = arith.constant 0 : index
    %get3A_240 = arith.constant 2048 : index
    %get3A_241 = vector.load %arg4[%get3A_239, %get3A_240] : memref<1x8192xf32, #tpu.memory_space<vmem>>, vector<1x128xf32>
    %add3A_242 = vector.broadcast %get3A_1 : vector<2048x1xf32> to vector<2048x128xf32>
    %add3A_243 = vector.broadcast %get3A_241 : vector<1x128xf32> to vector<2048x128xf32>
    %add3A_244 = arith.addf %add3A_242, %add3A_243 : vector<2048x128xf32>
    %slice3A_245 = vector.extract_strided_slice %dot_general3A_238 {offsets = [0, 0], sizes = [2048, 128], strides = [1, 1]} : vector<2048x2048xf32> to vector<2048x128xf32>
    %sub3A_246 = arith.subf %add3A_244, %slice3A_245 : vector<2048x128xf32>
    %broadcast_in_dim3A_247 = arith.constant 0.000000e+00 : f32
    %broadcast_in_dim3A_248 = vector.broadcast %broadcast_in_dim3A_247 : f32 to vector<2048x128xf32>
    %get3A_249 = arith.constant 0 : index
    %get3A_250 = arith.constant 2176 : index
    %get3A_251 = vector.load %arg4[%get3A_249, %get3A_250] : memref<1x8192xf32, #tpu.memory_space<vmem>>, vector<1x128xf32>
    %add3A_252 = vector.broadcast %get3A_1 : vector<2048x1xf32> to vector<2048x128xf32>
    %add3A_253 = vector.broadcast %get3A_251 : vector<1x128xf32> to vector<2048x128xf32>
    %add3A_254 = arith.addf %add3A_252, %add3A_253 : vector<2048x128xf32>
    %slice3A_255 = vector.extract_strided_slice %dot_general3A_238 {offsets = [0, 128], sizes = [2048, 128], strides = [1, 1]} : vector<2048x2048xf32> to vector<2048x128xf32>
    %sub3A_256 = arith.subf %add3A_254, %slice3A_255 : vector<2048x128xf32>
    %lt3A_257 = arith.cmpf olt, %sub3A_256, %sub3A_246 : vector<2048x128xf32>
    %select_n3A_258 = arith.select %lt3A_257, %sub3A_256, %sub3A_246 : vector<2048x128xi1>, vector<2048x128xf32>
    %jit3A_259 = arith.constant 1.000000e+00 : f32
    %broadcast_in_dim3A_260 = vector.broadcast %jit3A_259 : f32 to vector<2048x128xf32>
    %select_n3A_261 = arith.select %lt3A_257, %broadcast_in_dim3A_260, %broadcast_in_dim3A_248 : vector<2048x128xi1>, vector<2048x128xf32>
    %get3A_262 = arith.constant 0 : index
    %get3A_263 = arith.constant 2304 : index
    %get3A_264 = vector.load %arg4[%get3A_262, %get3A_263] : memref<1x8192xf32, #tpu.memory_space<vmem>>, vector<1x128xf32>
    %add3A_265 = vector.broadcast %get3A_1 : vector<2048x1xf32> to vector<2048x128xf32>
    %add3A_266 = vector.broadcast %get3A_264 : vector<1x128xf32> to vector<2048x128xf32>
    %add3A_267 = arith.addf %add3A_265, %add3A_266 : vector<2048x128xf32>
    %slice3A_268 = vector.extract_strided_slice %dot_general3A_238 {offsets = [0, 256], sizes = [2048, 128], strides = [1, 1]} : vector<2048x2048xf32> to vector<2048x128xf32>
    %sub3A_269 = arith.subf %add3A_267, %slice3A_268 : vector<2048x128xf32>
    %lt3A_270 = arith.cmpf olt, %sub3A_269, %select_n3A_258 : vector<2048x128xf32>
    %select_n3A_271 = arith.select %lt3A_270, %sub3A_269, %select_n3A_258 : vector<2048x128xi1>, vector<2048x128xf32>
    %jit3A_272 = arith.constant 2.000000e+00 : f32
    %broadcast_in_dim3A_273 = vector.broadcast %jit3A_272 : f32 to vector<2048x128xf32>
    %select_n3A_274 = arith.select %lt3A_270, %broadcast_in_dim3A_273, %select_n3A_261 : vector<2048x128xi1>, vector<2048x128xf32>
    %get3A_275 = arith.constant 0 : index
    %get3A_276 = arith.constant 2432 : index
    %get3A_277 = vector.load %arg4[%get3A_275, %get3A_276] : memref<1x8192xf32, #tpu.memory_space<vmem>>, vector<1x128xf32>
    %add3A_278 = vector.broadcast %get3A_1 : vector<2048x1xf32> to vector<2048x128xf32>
    %add3A_279 = vector.broadcast %get3A_277 : vector<1x128xf32> to vector<2048x128xf32>
    %add3A_280 = arith.addf %add3A_278, %add3A_279 : vector<2048x128xf32>
    %slice3A_281 = vector.extract_strided_slice %dot_general3A_238 {offsets = [0, 384], sizes = [2048, 128], strides = [1, 1]} : vector<2048x2048xf32> to vector<2048x128xf32>
    %sub3A_282 = arith.subf %add3A_280, %slice3A_281 : vector<2048x128xf32>
    %lt3A_283 = arith.cmpf olt, %sub3A_282, %select_n3A_271 : vector<2048x128xf32>
    %select_n3A_284 = arith.select %lt3A_283, %sub3A_282, %select_n3A_271 : vector<2048x128xi1>, vector<2048x128xf32>
    %jit3A_285 = arith.constant 3.000000e+00 : f32
    %broadcast_in_dim3A_286 = vector.broadcast %jit3A_285 : f32 to vector<2048x128xf32>
    %select_n3A_287 = arith.select %lt3A_283, %broadcast_in_dim3A_286, %select_n3A_274 : vector<2048x128xi1>, vector<2048x128xf32>
    %get3A_288 = arith.constant 0 : index
    %get3A_289 = arith.constant 2560 : index
    %get3A_290 = vector.load %arg4[%get3A_288, %get3A_289] : memref<1x8192xf32, #tpu.memory_space<vmem>>, vector<1x128xf32>
    %add3A_291 = vector.broadcast %get3A_1 : vector<2048x1xf32> to vector<2048x128xf32>
    %add3A_292 = vector.broadcast %get3A_290 : vector<1x128xf32> to vector<2048x128xf32>
    %add3A_293 = arith.addf %add3A_291, %add3A_292 : vector<2048x128xf32>
    %slice3A_294 = vector.extract_strided_slice %dot_general3A_238 {offsets = [0, 512], sizes = [2048, 128], strides = [1, 1]} : vector<2048x2048xf32> to vector<2048x128xf32>
    %sub3A_295 = arith.subf %add3A_293, %slice3A_294 : vector<2048x128xf32>
    %lt3A_296 = arith.cmpf olt, %sub3A_295, %select_n3A_284 : vector<2048x128xf32>
    %select_n3A_297 = arith.select %lt3A_296, %sub3A_295, %select_n3A_284 : vector<2048x128xi1>, vector<2048x128xf32>
    %jit3A_298 = arith.constant 4.000000e+00 : f32
    %broadcast_in_dim3A_299 = vector.broadcast %jit3A_298 : f32 to vector<2048x128xf32>
    %select_n3A_300 = arith.select %lt3A_296, %broadcast_in_dim3A_299, %select_n3A_287 : vector<2048x128xi1>, vector<2048x128xf32>
    %get3A_301 = arith.constant 0 : index
    %get3A_302 = arith.constant 2688 : index
    %get3A_303 = vector.load %arg4[%get3A_301, %get3A_302] : memref<1x8192xf32, #tpu.memory_space<vmem>>, vector<1x128xf32>
    %add3A_304 = vector.broadcast %get3A_1 : vector<2048x1xf32> to vector<2048x128xf32>
    %add3A_305 = vector.broadcast %get3A_303 : vector<1x128xf32> to vector<2048x128xf32>
    %add3A_306 = arith.addf %add3A_304, %add3A_305 : vector<2048x128xf32>
    %slice3A_307 = vector.extract_strided_slice %dot_general3A_238 {offsets = [0, 640], sizes = [2048, 128], strides = [1, 1]} : vector<2048x2048xf32> to vector<2048x128xf32>
    %sub3A_308 = arith.subf %add3A_306, %slice3A_307 : vector<2048x128xf32>
    %lt3A_309 = arith.cmpf olt, %sub3A_308, %select_n3A_297 : vector<2048x128xf32>
    %select_n3A_310 = arith.select %lt3A_309, %sub3A_308, %select_n3A_297 : vector<2048x128xi1>, vector<2048x128xf32>
    %jit3A_311 = arith.constant 5.000000e+00 : f32
    %broadcast_in_dim3A_312 = vector.broadcast %jit3A_311 : f32 to vector<2048x128xf32>
    %select_n3A_313 = arith.select %lt3A_309, %broadcast_in_dim3A_312, %select_n3A_300 : vector<2048x128xi1>, vector<2048x128xf32>
    %get3A_314 = arith.constant 0 : index
    %get3A_315 = arith.constant 2816 : index
    %get3A_316 = vector.load %arg4[%get3A_314, %get3A_315] : memref<1x8192xf32, #tpu.memory_space<vmem>>, vector<1x128xf32>
    %add3A_317 = vector.broadcast %get3A_1 : vector<2048x1xf32> to vector<2048x128xf32>
    %add3A_318 = vector.broadcast %get3A_316 : vector<1x128xf32> to vector<2048x128xf32>
    %add3A_319 = arith.addf %add3A_317, %add3A_318 : vector<2048x128xf32>
    %slice3A_320 = vector.extract_strided_slice %dot_general3A_238 {offsets = [0, 768], sizes = [2048, 128], strides = [1, 1]} : vector<2048x2048xf32> to vector<2048x128xf32>
    %sub3A_321 = arith.subf %add3A_319, %slice3A_320 : vector<2048x128xf32>
    %lt3A_322 = arith.cmpf olt, %sub3A_321, %select_n3A_310 : vector<2048x128xf32>
    %select_n3A_323 = arith.select %lt3A_322, %sub3A_321, %select_n3A_310 : vector<2048x128xi1>, vector<2048x128xf32>
    %jit3A_324 = arith.constant 6.000000e+00 : f32
    %broadcast_in_dim3A_325 = vector.broadcast %jit3A_324 : f32 to vector<2048x128xf32>
    %select_n3A_326 = arith.select %lt3A_322, %broadcast_in_dim3A_325, %select_n3A_313 : vector<2048x128xi1>, vector<2048x128xf32>
    %get3A_327 = arith.constant 0 : index
    %get3A_328 = arith.constant 2944 : index
    %get3A_329 = vector.load %arg4[%get3A_327, %get3A_328] : memref<1x8192xf32, #tpu.memory_space<vmem>>, vector<1x128xf32>
    %add3A_330 = vector.broadcast %get3A_1 : vector<2048x1xf32> to vector<2048x128xf32>
    %add3A_331 = vector.broadcast %get3A_329 : vector<1x128xf32> to vector<2048x128xf32>
    %add3A_332 = arith.addf %add3A_330, %add3A_331 : vector<2048x128xf32>
    %slice3A_333 = vector.extract_strided_slice %dot_general3A_238 {offsets = [0, 896], sizes = [2048, 128], strides = [1, 1]} : vector<2048x2048xf32> to vector<2048x128xf32>
    %sub3A_334 = arith.subf %add3A_332, %slice3A_333 : vector<2048x128xf32>
    %lt3A_335 = arith.cmpf olt, %sub3A_334, %select_n3A_323 : vector<2048x128xf32>
    %select_n3A_336 = arith.select %lt3A_335, %sub3A_334, %select_n3A_323 : vector<2048x128xi1>, vector<2048x128xf32>
    %jit3A_337 = arith.constant 7.000000e+00 : f32
    %broadcast_in_dim3A_338 = vector.broadcast %jit3A_337 : f32 to vector<2048x128xf32>
    %select_n3A_339 = arith.select %lt3A_335, %broadcast_in_dim3A_338, %select_n3A_326 : vector<2048x128xi1>, vector<2048x128xf32>
    %get3A_340 = arith.constant 0 : index
    %get3A_341 = arith.constant 3072 : index
    %get3A_342 = vector.load %arg4[%get3A_340, %get3A_341] : memref<1x8192xf32, #tpu.memory_space<vmem>>, vector<1x128xf32>
    %add3A_343 = vector.broadcast %get3A_1 : vector<2048x1xf32> to vector<2048x128xf32>
    %add3A_344 = vector.broadcast %get3A_342 : vector<1x128xf32> to vector<2048x128xf32>
    %add3A_345 = arith.addf %add3A_343, %add3A_344 : vector<2048x128xf32>
    %slice3A_346 = vector.extract_strided_slice %dot_general3A_238 {offsets = [0, 1024], sizes = [2048, 128], strides = [1, 1]} : vector<2048x2048xf32> to vector<2048x128xf32>
    %sub3A_347 = arith.subf %add3A_345, %slice3A_346 : vector<2048x128xf32>
    %lt3A_348 = arith.cmpf olt, %sub3A_347, %select_n3A_336 : vector<2048x128xf32>
    %select_n3A_349 = arith.select %lt3A_348, %sub3A_347, %select_n3A_336 : vector<2048x128xi1>, vector<2048x128xf32>
    %jit3A_350 = arith.constant 8.000000e+00 : f32
    %broadcast_in_dim3A_351 = vector.broadcast %jit3A_350 : f32 to vector<2048x128xf32>
    %select_n3A_352 = arith.select %lt3A_348, %broadcast_in_dim3A_351, %select_n3A_339 : vector<2048x128xi1>, vector<2048x128xf32>
    %get3A_353 = arith.constant 0 : index
    %get3A_354 = arith.constant 3200 : index
    %get3A_355 = vector.load %arg4[%get3A_353, %get3A_354] : memref<1x8192xf32, #tpu.memory_space<vmem>>, vector<1x128xf32>
    %add3A_356 = vector.broadcast %get3A_1 : vector<2048x1xf32> to vector<2048x128xf32>
    %add3A_357 = vector.broadcast %get3A_355 : vector<1x128xf32> to vector<2048x128xf32>
    %add3A_358 = arith.addf %add3A_356, %add3A_357 : vector<2048x128xf32>
    %slice3A_359 = vector.extract_strided_slice %dot_general3A_238 {offsets = [0, 1152], sizes = [2048, 128], strides = [1, 1]} : vector<2048x2048xf32> to vector<2048x128xf32>
    %sub3A_360 = arith.subf %add3A_358, %slice3A_359 : vector<2048x128xf32>
    %lt3A_361 = arith.cmpf olt, %sub3A_360, %select_n3A_349 : vector<2048x128xf32>
    %select_n3A_362 = arith.select %lt3A_361, %sub3A_360, %select_n3A_349 : vector<2048x128xi1>, vector<2048x128xf32>
    %jit3A_363 = arith.constant 9.000000e+00 : f32
    %broadcast_in_dim3A_364 = vector.broadcast %jit3A_363 : f32 to vector<2048x128xf32>
    %select_n3A_365 = arith.select %lt3A_361, %broadcast_in_dim3A_364, %select_n3A_352 : vector<2048x128xi1>, vector<2048x128xf32>
    %get3A_366 = arith.constant 0 : index
    %get3A_367 = arith.constant 3328 : index
    %get3A_368 = vector.load %arg4[%get3A_366, %get3A_367] : memref<1x8192xf32, #tpu.memory_space<vmem>>, vector<1x128xf32>
    %add3A_369 = vector.broadcast %get3A_1 : vector<2048x1xf32> to vector<2048x128xf32>
    %add3A_370 = vector.broadcast %get3A_368 : vector<1x128xf32> to vector<2048x128xf32>
    %add3A_371 = arith.addf %add3A_369, %add3A_370 : vector<2048x128xf32>
    %slice3A_372 = vector.extract_strided_slice %dot_general3A_238 {offsets = [0, 1280], sizes = [2048, 128], strides = [1, 1]} : vector<2048x2048xf32> to vector<2048x128xf32>
    %sub3A_373 = arith.subf %add3A_371, %slice3A_372 : vector<2048x128xf32>
    %lt3A_374 = arith.cmpf olt, %sub3A_373, %select_n3A_362 : vector<2048x128xf32>
    %select_n3A_375 = arith.select %lt3A_374, %sub3A_373, %select_n3A_362 : vector<2048x128xi1>, vector<2048x128xf32>
    %jit3A_376 = arith.constant 1.000000e+01 : f32
    %broadcast_in_dim3A_377 = vector.broadcast %jit3A_376 : f32 to vector<2048x128xf32>
    %select_n3A_378 = arith.select %lt3A_374, %broadcast_in_dim3A_377, %select_n3A_365 : vector<2048x128xi1>, vector<2048x128xf32>
    %get3A_379 = arith.constant 0 : index
    %get3A_380 = arith.constant 3456 : index
    %get3A_381 = vector.load %arg4[%get3A_379, %get3A_380] : memref<1x8192xf32, #tpu.memory_space<vmem>>, vector<1x128xf32>
    %add3A_382 = vector.broadcast %get3A_1 : vector<2048x1xf32> to vector<2048x128xf32>
    %add3A_383 = vector.broadcast %get3A_381 : vector<1x128xf32> to vector<2048x128xf32>
    %add3A_384 = arith.addf %add3A_382, %add3A_383 : vector<2048x128xf32>
    %slice3A_385 = vector.extract_strided_slice %dot_general3A_238 {offsets = [0, 1408], sizes = [2048, 128], strides = [1, 1]} : vector<2048x2048xf32> to vector<2048x128xf32>
    %sub3A_386 = arith.subf %add3A_384, %slice3A_385 : vector<2048x128xf32>
    %lt3A_387 = arith.cmpf olt, %sub3A_386, %select_n3A_375 : vector<2048x128xf32>
    %select_n3A_388 = arith.select %lt3A_387, %sub3A_386, %select_n3A_375 : vector<2048x128xi1>, vector<2048x128xf32>
    %jit3A_389 = arith.constant 1.100000e+01 : f32
    %broadcast_in_dim3A_390 = vector.broadcast %jit3A_389 : f32 to vector<2048x128xf32>
    %select_n3A_391 = arith.select %lt3A_387, %broadcast_in_dim3A_390, %select_n3A_378 : vector<2048x128xi1>, vector<2048x128xf32>
    %get3A_392 = arith.constant 0 : index
    %get3A_393 = arith.constant 3584 : index
    %get3A_394 = vector.load %arg4[%get3A_392, %get3A_393] : memref<1x8192xf32, #tpu.memory_space<vmem>>, vector<1x128xf32>
    %add3A_395 = vector.broadcast %get3A_1 : vector<2048x1xf32> to vector<2048x128xf32>
    %add3A_396 = vector.broadcast %get3A_394 : vector<1x128xf32> to vector<2048x128xf32>
    %add3A_397 = arith.addf %add3A_395, %add3A_396 : vector<2048x128xf32>
    %slice3A_398 = vector.extract_strided_slice %dot_general3A_238 {offsets = [0, 1536], sizes = [2048, 128], strides = [1, 1]} : vector<2048x2048xf32> to vector<2048x128xf32>
    %sub3A_399 = arith.subf %add3A_397, %slice3A_398 : vector<2048x128xf32>
    %lt3A_400 = arith.cmpf olt, %sub3A_399, %select_n3A_388 : vector<2048x128xf32>
    %select_n3A_401 = arith.select %lt3A_400, %sub3A_399, %select_n3A_388 : vector<2048x128xi1>, vector<2048x128xf32>
    %jit3A_402 = arith.constant 1.200000e+01 : f32
    %broadcast_in_dim3A_403 = vector.broadcast %jit3A_402 : f32 to vector<2048x128xf32>
    %select_n3A_404 = arith.select %lt3A_400, %broadcast_in_dim3A_403, %select_n3A_391 : vector<2048x128xi1>, vector<2048x128xf32>
    %get3A_405 = arith.constant 0 : index
    %get3A_406 = arith.constant 3712 : index
    %get3A_407 = vector.load %arg4[%get3A_405, %get3A_406] : memref<1x8192xf32, #tpu.memory_space<vmem>>, vector<1x128xf32>
    %add3A_408 = vector.broadcast %get3A_1 : vector<2048x1xf32> to vector<2048x128xf32>
    %add3A_409 = vector.broadcast %get3A_407 : vector<1x128xf32> to vector<2048x128xf32>
    %add3A_410 = arith.addf %add3A_408, %add3A_409 : vector<2048x128xf32>
    %slice3A_411 = vector.extract_strided_slice %dot_general3A_238 {offsets = [0, 1664], sizes = [2048, 128], strides = [1, 1]} : vector<2048x2048xf32> to vector<2048x128xf32>
    %sub3A_412 = arith.subf %add3A_410, %slice3A_411 : vector<2048x128xf32>
    %lt3A_413 = arith.cmpf olt, %sub3A_412, %select_n3A_401 : vector<2048x128xf32>
    %select_n3A_414 = arith.select %lt3A_413, %sub3A_412, %select_n3A_401 : vector<2048x128xi1>, vector<2048x128xf32>
    %jit3A_415 = arith.constant 1.300000e+01 : f32
    %broadcast_in_dim3A_416 = vector.broadcast %jit3A_415 : f32 to vector<2048x128xf32>
    %select_n3A_417 = arith.select %lt3A_413, %broadcast_in_dim3A_416, %select_n3A_404 : vector<2048x128xi1>, vector<2048x128xf32>
    %get3A_418 = arith.constant 0 : index
    %get3A_419 = arith.constant 3840 : index
    %get3A_420 = vector.load %arg4[%get3A_418, %get3A_419] : memref<1x8192xf32, #tpu.memory_space<vmem>>, vector<1x128xf32>
    %add3A_421 = vector.broadcast %get3A_1 : vector<2048x1xf32> to vector<2048x128xf32>
    %add3A_422 = vector.broadcast %get3A_420 : vector<1x128xf32> to vector<2048x128xf32>
    %add3A_423 = arith.addf %add3A_421, %add3A_422 : vector<2048x128xf32>
    %slice3A_424 = vector.extract_strided_slice %dot_general3A_238 {offsets = [0, 1792], sizes = [2048, 128], strides = [1, 1]} : vector<2048x2048xf32> to vector<2048x128xf32>
    %sub3A_425 = arith.subf %add3A_423, %slice3A_424 : vector<2048x128xf32>
    %lt3A_426 = arith.cmpf olt, %sub3A_425, %select_n3A_414 : vector<2048x128xf32>
    %select_n3A_427 = arith.select %lt3A_426, %sub3A_425, %select_n3A_414 : vector<2048x128xi1>, vector<2048x128xf32>
    %jit3A_428 = arith.constant 1.400000e+01 : f32
    %broadcast_in_dim3A_429 = vector.broadcast %jit3A_428 : f32 to vector<2048x128xf32>
    %select_n3A_430 = arith.select %lt3A_426, %broadcast_in_dim3A_429, %select_n3A_417 : vector<2048x128xi1>, vector<2048x128xf32>
    %get3A_431 = arith.constant 0 : index
    %get3A_432 = arith.constant 3968 : index
    %get3A_433 = vector.load %arg4[%get3A_431, %get3A_432] : memref<1x8192xf32, #tpu.memory_space<vmem>>, vector<1x128xf32>
    %add3A_434 = vector.broadcast %get3A_1 : vector<2048x1xf32> to vector<2048x128xf32>
    %add3A_435 = vector.broadcast %get3A_433 : vector<1x128xf32> to vector<2048x128xf32>
    %add3A_436 = arith.addf %add3A_434, %add3A_435 : vector<2048x128xf32>
    %slice3A_437 = vector.extract_strided_slice %dot_general3A_238 {offsets = [0, 1920], sizes = [2048, 128], strides = [1, 1]} : vector<2048x2048xf32> to vector<2048x128xf32>
    %sub3A_438 = arith.subf %add3A_436, %slice3A_437 : vector<2048x128xf32>
    %lt3A_439 = arith.cmpf olt, %sub3A_438, %select_n3A_427 : vector<2048x128xf32>
    %select_n3A_440 = arith.select %lt3A_439, %sub3A_438, %select_n3A_427 : vector<2048x128xi1>, vector<2048x128xf32>
    %jit3A_441 = arith.constant 1.500000e+01 : f32
    %broadcast_in_dim3A_442 = vector.broadcast %jit3A_441 : f32 to vector<2048x128xf32>
    %select_n3A_443 = arith.select %lt3A_439, %broadcast_in_dim3A_442, %select_n3A_430 : vector<2048x128xi1>, vector<2048x128xf32>
    %reduce_min3A_444 = arith.constant dense<0x7F800000> : vector<2048xf32>
    %reduce_min3A_445 = vector.multi_reduction <minimumf>, %select_n3A_440, %reduce_min3A_444 [1] : vector<2048x128xf32> to vector<2048xf32>
    %broadcast_in_dim3A_446 = vector.shape_cast %reduce_min3A_445 : vector<2048xf32> to vector<2048x1xf32>
    %eq3A_447 = vector.broadcast %broadcast_in_dim3A_446 : vector<2048x1xf32> to vector<2048x128xf32>
    %eq3A_448 = arith.cmpf oeq, %select_n3A_440, %eq3A_447 : vector<2048x128xf32>
    %mul3A_449 = arith.constant 1.280000e+02 : f32
    %mul3A_450 = vector.broadcast %mul3A_449 : f32 to vector<2048x128xf32>
    %mul3A_451 = arith.mulf %select_n3A_443, %mul3A_450 : vector<2048x128xf32>
    %add3A_452 = vector.broadcast %get3A_10 : vector<1x128xf32> to vector<2048x128xf32>
    %add3A_453 = arith.addf %mul3A_451, %add3A_452 : vector<2048x128xf32>
    %add3A_454 = arith.constant 2.048000e+03 : f32
    %add3A_455 = vector.broadcast %add3A_454 : f32 to vector<2048x128xf32>
    %add3A_456 = arith.addf %add3A_453, %add3A_455 : vector<2048x128xf32>
    %jit3A_457 = arith.constant 0x7F800000 : f32
    %broadcast_in_dim3A_458 = vector.broadcast %jit3A_457 : f32 to vector<2048x128xf32>
    %select_n3A_459 = arith.select %eq3A_448, %add3A_456, %broadcast_in_dim3A_458 : vector<2048x128xi1>, vector<2048x128xf32>
    %reduce_min3A_460 = arith.constant dense<0x7F800000> : vector<2048xf32>
    %reduce_min3A_461 = vector.multi_reduction <minimumf>, %select_n3A_459, %reduce_min3A_460 [1] : vector<2048x128xf32> to vector<2048xf32>
    %broadcast_in_dim3A_462 = vector.shape_cast %reduce_min3A_461 : vector<2048xf32> to vector<2048x1xf32>
    %lt3A_463 = arith.cmpf olt, %broadcast_in_dim3A_446, %select_n3A_232 : vector<2048x1xf32>
    %convert_element_type3A_464 = arith.truncf %broadcast_in_dim3A_446 : vector<2048x1xf32> to vector<2048x1xbf16>
    %convert_element_type3A_465 = arith.extf %convert_element_type3A_464 : vector<2048x1xbf16> to vector<2048x1xf32>
    %select_n3A_466 = arith.select %lt3A_463, %convert_element_type3A_465, %select_n3A_232 : vector<2048x1xi1>, vector<2048x1xf32>
    %select_n3A_467 = arith.select %lt3A_463, %broadcast_in_dim3A_462, %select_n3A_233 : vector<2048x1xi1>, vector<2048x1xf32>
    %get3A_468 = arith.constant 0 : index
    %get3A_469 = arith.constant 4096 : index
    %get3A_470 = vector.load %arg3[%get3A_468, %get3A_469] : memref<32x8192xbf16, #tpu.memory_space<vmem>>, vector<32x2048xbf16>
    %dot_general3A_471 = arith.constant dense<0.000000e+00> : vector<2048x2048xf32>
    %dot_general3A_472 = tpu.matmul %get3A_4, %get3A_470, %dot_general3A_471 {dimension_numbers = #tpu.dot_dimension_numbers<[1], [0], [0], [1], [0, 0, 1, 1], [], []>, transpose_lhs_hint = false} : vector<2048x32xbf16>, vector<32x2048xbf16>, vector<2048x2048xf32> -> vector<2048x2048xf32>
    %get3A_473 = arith.constant 0 : index
    %get3A_474 = arith.constant 4096 : index
    %get3A_475 = vector.load %arg4[%get3A_473, %get3A_474] : memref<1x8192xf32, #tpu.memory_space<vmem>>, vector<1x128xf32>
    %add3A_476 = vector.broadcast %get3A_1 : vector<2048x1xf32> to vector<2048x128xf32>
    %add3A_477 = vector.broadcast %get3A_475 : vector<1x128xf32> to vector<2048x128xf32>
    %add3A_478 = arith.addf %add3A_476, %add3A_477 : vector<2048x128xf32>
    %slice3A_479 = vector.extract_strided_slice %dot_general3A_472 {offsets = [0, 0], sizes = [2048, 128], strides = [1, 1]} : vector<2048x2048xf32> to vector<2048x128xf32>
    %sub3A_480 = arith.subf %add3A_478, %slice3A_479 : vector<2048x128xf32>
    %broadcast_in_dim3A_481 = arith.constant 0.000000e+00 : f32
    %broadcast_in_dim3A_482 = vector.broadcast %broadcast_in_dim3A_481 : f32 to vector<2048x128xf32>
    %get3A_483 = arith.constant 0 : index
    %get3A_484 = arith.constant 4224 : index
    %get3A_485 = vector.load %arg4[%get3A_483, %get3A_484] : memref<1x8192xf32, #tpu.memory_space<vmem>>, vector<1x128xf32>
    %add3A_486 = vector.broadcast %get3A_1 : vector<2048x1xf32> to vector<2048x128xf32>
    %add3A_487 = vector.broadcast %get3A_485 : vector<1x128xf32> to vector<2048x128xf32>
    %add3A_488 = arith.addf %add3A_486, %add3A_487 : vector<2048x128xf32>
    %slice3A_489 = vector.extract_strided_slice %dot_general3A_472 {offsets = [0, 128], sizes = [2048, 128], strides = [1, 1]} : vector<2048x2048xf32> to vector<2048x128xf32>
    %sub3A_490 = arith.subf %add3A_488, %slice3A_489 : vector<2048x128xf32>
    %lt3A_491 = arith.cmpf olt, %sub3A_490, %sub3A_480 : vector<2048x128xf32>
    %select_n3A_492 = arith.select %lt3A_491, %sub3A_490, %sub3A_480 : vector<2048x128xi1>, vector<2048x128xf32>
    %jit3A_493 = arith.constant 1.000000e+00 : f32
    %broadcast_in_dim3A_494 = vector.broadcast %jit3A_493 : f32 to vector<2048x128xf32>
    %select_n3A_495 = arith.select %lt3A_491, %broadcast_in_dim3A_494, %broadcast_in_dim3A_482 : vector<2048x128xi1>, vector<2048x128xf32>
    %get3A_496 = arith.constant 0 : index
    %get3A_497 = arith.constant 4352 : index
    %get3A_498 = vector.load %arg4[%get3A_496, %get3A_497] : memref<1x8192xf32, #tpu.memory_space<vmem>>, vector<1x128xf32>
    %add3A_499 = vector.broadcast %get3A_1 : vector<2048x1xf32> to vector<2048x128xf32>
    %add3A_500 = vector.broadcast %get3A_498 : vector<1x128xf32> to vector<2048x128xf32>
    %add3A_501 = arith.addf %add3A_499, %add3A_500 : vector<2048x128xf32>
    %slice3A_502 = vector.extract_strided_slice %dot_general3A_472 {offsets = [0, 256], sizes = [2048, 128], strides = [1, 1]} : vector<2048x2048xf32> to vector<2048x128xf32>
    %sub3A_503 = arith.subf %add3A_501, %slice3A_502 : vector<2048x128xf32>
    %lt3A_504 = arith.cmpf olt, %sub3A_503, %select_n3A_492 : vector<2048x128xf32>
    %select_n3A_505 = arith.select %lt3A_504, %sub3A_503, %select_n3A_492 : vector<2048x128xi1>, vector<2048x128xf32>
    %jit3A_506 = arith.constant 2.000000e+00 : f32
    %broadcast_in_dim3A_507 = vector.broadcast %jit3A_506 : f32 to vector<2048x128xf32>
    %select_n3A_508 = arith.select %lt3A_504, %broadcast_in_dim3A_507, %select_n3A_495 : vector<2048x128xi1>, vector<2048x128xf32>
    %get3A_509 = arith.constant 0 : index
    %get3A_510 = arith.constant 4480 : index
    %get3A_511 = vector.load %arg4[%get3A_509, %get3A_510] : memref<1x8192xf32, #tpu.memory_space<vmem>>, vector<1x128xf32>
    %add3A_512 = vector.broadcast %get3A_1 : vector<2048x1xf32> to vector<2048x128xf32>
    %add3A_513 = vector.broadcast %get3A_511 : vector<1x128xf32> to vector<2048x128xf32>
    %add3A_514 = arith.addf %add3A_512, %add3A_513 : vector<2048x128xf32>
    %slice3A_515 = vector.extract_strided_slice %dot_general3A_472 {offsets = [0, 384], sizes = [2048, 128], strides = [1, 1]} : vector<2048x2048xf32> to vector<2048x128xf32>
    %sub3A_516 = arith.subf %add3A_514, %slice3A_515 : vector<2048x128xf32>
    %lt3A_517 = arith.cmpf olt, %sub3A_516, %select_n3A_505 : vector<2048x128xf32>
    %select_n3A_518 = arith.select %lt3A_517, %sub3A_516, %select_n3A_505 : vector<2048x128xi1>, vector<2048x128xf32>
    %jit3A_519 = arith.constant 3.000000e+00 : f32
    %broadcast_in_dim3A_520 = vector.broadcast %jit3A_519 : f32 to vector<2048x128xf32>
    %select_n3A_521 = arith.select %lt3A_517, %broadcast_in_dim3A_520, %select_n3A_508 : vector<2048x128xi1>, vector<2048x128xf32>
    %get3A_522 = arith.constant 0 : index
    %get3A_523 = arith.constant 4608 : index
    %get3A_524 = vector.load %arg4[%get3A_522, %get3A_523] : memref<1x8192xf32, #tpu.memory_space<vmem>>, vector<1x128xf32>
    %add3A_525 = vector.broadcast %get3A_1 : vector<2048x1xf32> to vector<2048x128xf32>
    %add3A_526 = vector.broadcast %get3A_524 : vector<1x128xf32> to vector<2048x128xf32>
    %add3A_527 = arith.addf %add3A_525, %add3A_526 : vector<2048x128xf32>
    %slice3A_528 = vector.extract_strided_slice %dot_general3A_472 {offsets = [0, 512], sizes = [2048, 128], strides = [1, 1]} : vector<2048x2048xf32> to vector<2048x128xf32>
    %sub3A_529 = arith.subf %add3A_527, %slice3A_528 : vector<2048x128xf32>
    %lt3A_530 = arith.cmpf olt, %sub3A_529, %select_n3A_518 : vector<2048x128xf32>
    %select_n3A_531 = arith.select %lt3A_530, %sub3A_529, %select_n3A_518 : vector<2048x128xi1>, vector<2048x128xf32>
    %jit3A_532 = arith.constant 4.000000e+00 : f32
    %broadcast_in_dim3A_533 = vector.broadcast %jit3A_532 : f32 to vector<2048x128xf32>
    %select_n3A_534 = arith.select %lt3A_530, %broadcast_in_dim3A_533, %select_n3A_521 : vector<2048x128xi1>, vector<2048x128xf32>
    %get3A_535 = arith.constant 0 : index
    %get3A_536 = arith.constant 4736 : index
    %get3A_537 = vector.load %arg4[%get3A_535, %get3A_536] : memref<1x8192xf32, #tpu.memory_space<vmem>>, vector<1x128xf32>
    %add3A_538 = vector.broadcast %get3A_1 : vector<2048x1xf32> to vector<2048x128xf32>
    %add3A_539 = vector.broadcast %get3A_537 : vector<1x128xf32> to vector<2048x128xf32>
    %add3A_540 = arith.addf %add3A_538, %add3A_539 : vector<2048x128xf32>
    %slice3A_541 = vector.extract_strided_slice %dot_general3A_472 {offsets = [0, 640], sizes = [2048, 128], strides = [1, 1]} : vector<2048x2048xf32> to vector<2048x128xf32>
    %sub3A_542 = arith.subf %add3A_540, %slice3A_541 : vector<2048x128xf32>
    %lt3A_543 = arith.cmpf olt, %sub3A_542, %select_n3A_531 : vector<2048x128xf32>
    %select_n3A_544 = arith.select %lt3A_543, %sub3A_542, %select_n3A_531 : vector<2048x128xi1>, vector<2048x128xf32>
    %jit3A_545 = arith.constant 5.000000e+00 : f32
    %broadcast_in_dim3A_546 = vector.broadcast %jit3A_545 : f32 to vector<2048x128xf32>
    %select_n3A_547 = arith.select %lt3A_543, %broadcast_in_dim3A_546, %select_n3A_534 : vector<2048x128xi1>, vector<2048x128xf32>
    %get3A_548 = arith.constant 0 : index
    %get3A_549 = arith.constant 4864 : index
    %get3A_550 = vector.load %arg4[%get3A_548, %get3A_549] : memref<1x8192xf32, #tpu.memory_space<vmem>>, vector<1x128xf32>
    %add3A_551 = vector.broadcast %get3A_1 : vector<2048x1xf32> to vector<2048x128xf32>
    %add3A_552 = vector.broadcast %get3A_550 : vector<1x128xf32> to vector<2048x128xf32>
    %add3A_553 = arith.addf %add3A_551, %add3A_552 : vector<2048x128xf32>
    %slice3A_554 = vector.extract_strided_slice %dot_general3A_472 {offsets = [0, 768], sizes = [2048, 128], strides = [1, 1]} : vector<2048x2048xf32> to vector<2048x128xf32>
    %sub3A_555 = arith.subf %add3A_553, %slice3A_554 : vector<2048x128xf32>
    %lt3A_556 = arith.cmpf olt, %sub3A_555, %select_n3A_544 : vector<2048x128xf32>
    %select_n3A_557 = arith.select %lt3A_556, %sub3A_555, %select_n3A_544 : vector<2048x128xi1>, vector<2048x128xf32>
    %jit3A_558 = arith.constant 6.000000e+00 : f32
    %broadcast_in_dim3A_559 = vector.broadcast %jit3A_558 : f32 to vector<2048x128xf32>
    %select_n3A_560 = arith.select %lt3A_556, %broadcast_in_dim3A_559, %select_n3A_547 : vector<2048x128xi1>, vector<2048x128xf32>
    %get3A_561 = arith.constant 0 : index
    %get3A_562 = arith.constant 4992 : index
    %get3A_563 = vector.load %arg4[%get3A_561, %get3A_562] : memref<1x8192xf32, #tpu.memory_space<vmem>>, vector<1x128xf32>
    %add3A_564 = vector.broadcast %get3A_1 : vector<2048x1xf32> to vector<2048x128xf32>
    %add3A_565 = vector.broadcast %get3A_563 : vector<1x128xf32> to vector<2048x128xf32>
    %add3A_566 = arith.addf %add3A_564, %add3A_565 : vector<2048x128xf32>
    %slice3A_567 = vector.extract_strided_slice %dot_general3A_472 {offsets = [0, 896], sizes = [2048, 128], strides = [1, 1]} : vector<2048x2048xf32> to vector<2048x128xf32>
    %sub3A_568 = arith.subf %add3A_566, %slice3A_567 : vector<2048x128xf32>
    %lt3A_569 = arith.cmpf olt, %sub3A_568, %select_n3A_557 : vector<2048x128xf32>
    %select_n3A_570 = arith.select %lt3A_569, %sub3A_568, %select_n3A_557 : vector<2048x128xi1>, vector<2048x128xf32>
    %jit3A_571 = arith.constant 7.000000e+00 : f32
    %broadcast_in_dim3A_572 = vector.broadcast %jit3A_571 : f32 to vector<2048x128xf32>
    %select_n3A_573 = arith.select %lt3A_569, %broadcast_in_dim3A_572, %select_n3A_560 : vector<2048x128xi1>, vector<2048x128xf32>
    %get3A_574 = arith.constant 0 : index
    %get3A_575 = arith.constant 5120 : index
    %get3A_576 = vector.load %arg4[%get3A_574, %get3A_575] : memref<1x8192xf32, #tpu.memory_space<vmem>>, vector<1x128xf32>
    %add3A_577 = vector.broadcast %get3A_1 : vector<2048x1xf32> to vector<2048x128xf32>
    %add3A_578 = vector.broadcast %get3A_576 : vector<1x128xf32> to vector<2048x128xf32>
    %add3A_579 = arith.addf %add3A_577, %add3A_578 : vector<2048x128xf32>
    %slice3A_580 = vector.extract_strided_slice %dot_general3A_472 {offsets = [0, 1024], sizes = [2048, 128], strides = [1, 1]} : vector<2048x2048xf32> to vector<2048x128xf32>
    %sub3A_581 = arith.subf %add3A_579, %slice3A_580 : vector<2048x128xf32>
    %lt3A_582 = arith.cmpf olt, %sub3A_581, %select_n3A_570 : vector<2048x128xf32>
    %select_n3A_583 = arith.select %lt3A_582, %sub3A_581, %select_n3A_570 : vector<2048x128xi1>, vector<2048x128xf32>
    %jit3A_584 = arith.constant 8.000000e+00 : f32
    %broadcast_in_dim3A_585 = vector.broadcast %jit3A_584 : f32 to vector<2048x128xf32>
    %select_n3A_586 = arith.select %lt3A_582, %broadcast_in_dim3A_585, %select_n3A_573 : vector<2048x128xi1>, vector<2048x128xf32>
    %get3A_587 = arith.constant 0 : index
    %get3A_588 = arith.constant 5248 : index
    %get3A_589 = vector.load %arg4[%get3A_587, %get3A_588] : memref<1x8192xf32, #tpu.memory_space<vmem>>, vector<1x128xf32>
    %add3A_590 = vector.broadcast %get3A_1 : vector<2048x1xf32> to vector<2048x128xf32>
    %add3A_591 = vector.broadcast %get3A_589 : vector<1x128xf32> to vector<2048x128xf32>
    %add3A_592 = arith.addf %add3A_590, %add3A_591 : vector<2048x128xf32>
    %slice3A_593 = vector.extract_strided_slice %dot_general3A_472 {offsets = [0, 1152], sizes = [2048, 128], strides = [1, 1]} : vector<2048x2048xf32> to vector<2048x128xf32>
    %sub3A_594 = arith.subf %add3A_592, %slice3A_593 : vector<2048x128xf32>
    %lt3A_595 = arith.cmpf olt, %sub3A_594, %select_n3A_583 : vector<2048x128xf32>
    %select_n3A_596 = arith.select %lt3A_595, %sub3A_594, %select_n3A_583 : vector<2048x128xi1>, vector<2048x128xf32>
    %jit3A_597 = arith.constant 9.000000e+00 : f32
    %broadcast_in_dim3A_598 = vector.broadcast %jit3A_597 : f32 to vector<2048x128xf32>
    %select_n3A_599 = arith.select %lt3A_595, %broadcast_in_dim3A_598, %select_n3A_586 : vector<2048x128xi1>, vector<2048x128xf32>
    %get3A_600 = arith.constant 0 : index
    %get3A_601 = arith.constant 5376 : index
    %get3A_602 = vector.load %arg4[%get3A_600, %get3A_601] : memref<1x8192xf32, #tpu.memory_space<vmem>>, vector<1x128xf32>
    %add3A_603 = vector.broadcast %get3A_1 : vector<2048x1xf32> to vector<2048x128xf32>
    %add3A_604 = vector.broadcast %get3A_602 : vector<1x128xf32> to vector<2048x128xf32>
    %add3A_605 = arith.addf %add3A_603, %add3A_604 : vector<2048x128xf32>
    %slice3A_606 = vector.extract_strided_slice %dot_general3A_472 {offsets = [0, 1280], sizes = [2048, 128], strides = [1, 1]} : vector<2048x2048xf32> to vector<2048x128xf32>
    %sub3A_607 = arith.subf %add3A_605, %slice3A_606 : vector<2048x128xf32>
    %lt3A_608 = arith.cmpf olt, %sub3A_607, %select_n3A_596 : vector<2048x128xf32>
    %select_n3A_609 = arith.select %lt3A_608, %sub3A_607, %select_n3A_596 : vector<2048x128xi1>, vector<2048x128xf32>
    %jit3A_610 = arith.constant 1.000000e+01 : f32
    %broadcast_in_dim3A_611 = vector.broadcast %jit3A_610 : f32 to vector<2048x128xf32>
    %select_n3A_612 = arith.select %lt3A_608, %broadcast_in_dim3A_611, %select_n3A_599 : vector<2048x128xi1>, vector<2048x128xf32>
    %get3A_613 = arith.constant 0 : index
    %get3A_614 = arith.constant 5504 : index
    %get3A_615 = vector.load %arg4[%get3A_613, %get3A_614] : memref<1x8192xf32, #tpu.memory_space<vmem>>, vector<1x128xf32>
    %add3A_616 = vector.broadcast %get3A_1 : vector<2048x1xf32> to vector<2048x128xf32>
    %add3A_617 = vector.broadcast %get3A_615 : vector<1x128xf32> to vector<2048x128xf32>
    %add3A_618 = arith.addf %add3A_616, %add3A_617 : vector<2048x128xf32>
    %slice3A_619 = vector.extract_strided_slice %dot_general3A_472 {offsets = [0, 1408], sizes = [2048, 128], strides = [1, 1]} : vector<2048x2048xf32> to vector<2048x128xf32>
    %sub3A_620 = arith.subf %add3A_618, %slice3A_619 : vector<2048x128xf32>
    %lt3A_621 = arith.cmpf olt, %sub3A_620, %select_n3A_609 : vector<2048x128xf32>
    %select_n3A_622 = arith.select %lt3A_621, %sub3A_620, %select_n3A_609 : vector<2048x128xi1>, vector<2048x128xf32>
    %jit3A_623 = arith.constant 1.100000e+01 : f32
    %broadcast_in_dim3A_624 = vector.broadcast %jit3A_623 : f32 to vector<2048x128xf32>
    %select_n3A_625 = arith.select %lt3A_621, %broadcast_in_dim3A_624, %select_n3A_612 : vector<2048x128xi1>, vector<2048x128xf32>
    %get3A_626 = arith.constant 0 : index
    %get3A_627 = arith.constant 5632 : index
    %get3A_628 = vector.load %arg4[%get3A_626, %get3A_627] : memref<1x8192xf32, #tpu.memory_space<vmem>>, vector<1x128xf32>
    %add3A_629 = vector.broadcast %get3A_1 : vector<2048x1xf32> to vector<2048x128xf32>
    %add3A_630 = vector.broadcast %get3A_628 : vector<1x128xf32> to vector<2048x128xf32>
    %add3A_631 = arith.addf %add3A_629, %add3A_630 : vector<2048x128xf32>
    %slice3A_632 = vector.extract_strided_slice %dot_general3A_472 {offsets = [0, 1536], sizes = [2048, 128], strides = [1, 1]} : vector<2048x2048xf32> to vector<2048x128xf32>
    %sub3A_633 = arith.subf %add3A_631, %slice3A_632 : vector<2048x128xf32>
    %lt3A_634 = arith.cmpf olt, %sub3A_633, %select_n3A_622 : vector<2048x128xf32>
    %select_n3A_635 = arith.select %lt3A_634, %sub3A_633, %select_n3A_622 : vector<2048x128xi1>, vector<2048x128xf32>
    %jit3A_636 = arith.constant 1.200000e+01 : f32
    %broadcast_in_dim3A_637 = vector.broadcast %jit3A_636 : f32 to vector<2048x128xf32>
    %select_n3A_638 = arith.select %lt3A_634, %broadcast_in_dim3A_637, %select_n3A_625 : vector<2048x128xi1>, vector<2048x128xf32>
    %get3A_639 = arith.constant 0 : index
    %get3A_640 = arith.constant 5760 : index
    %get3A_641 = vector.load %arg4[%get3A_639, %get3A_640] : memref<1x8192xf32, #tpu.memory_space<vmem>>, vector<1x128xf32>
    %add3A_642 = vector.broadcast %get3A_1 : vector<2048x1xf32> to vector<2048x128xf32>
    %add3A_643 = vector.broadcast %get3A_641 : vector<1x128xf32> to vector<2048x128xf32>
    %add3A_644 = arith.addf %add3A_642, %add3A_643 : vector<2048x128xf32>
    %slice3A_645 = vector.extract_strided_slice %dot_general3A_472 {offsets = [0, 1664], sizes = [2048, 128], strides = [1, 1]} : vector<2048x2048xf32> to vector<2048x128xf32>
    %sub3A_646 = arith.subf %add3A_644, %slice3A_645 : vector<2048x128xf32>
    %lt3A_647 = arith.cmpf olt, %sub3A_646, %select_n3A_635 : vector<2048x128xf32>
    %select_n3A_648 = arith.select %lt3A_647, %sub3A_646, %select_n3A_635 : vector<2048x128xi1>, vector<2048x128xf32>
    %jit3A_649 = arith.constant 1.300000e+01 : f32
    %broadcast_in_dim3A_650 = vector.broadcast %jit3A_649 : f32 to vector<2048x128xf32>
    %select_n3A_651 = arith.select %lt3A_647, %broadcast_in_dim3A_650, %select_n3A_638 : vector<2048x128xi1>, vector<2048x128xf32>
    %get3A_652 = arith.constant 0 : index
    %get3A_653 = arith.constant 5888 : index
    %get3A_654 = vector.load %arg4[%get3A_652, %get3A_653] : memref<1x8192xf32, #tpu.memory_space<vmem>>, vector<1x128xf32>
    %add3A_655 = vector.broadcast %get3A_1 : vector<2048x1xf32> to vector<2048x128xf32>
    %add3A_656 = vector.broadcast %get3A_654 : vector<1x128xf32> to vector<2048x128xf32>
    %add3A_657 = arith.addf %add3A_655, %add3A_656 : vector<2048x128xf32>
    %slice3A_658 = vector.extract_strided_slice %dot_general3A_472 {offsets = [0, 1792], sizes = [2048, 128], strides = [1, 1]} : vector<2048x2048xf32> to vector<2048x128xf32>
    %sub3A_659 = arith.subf %add3A_657, %slice3A_658 : vector<2048x128xf32>
    %lt3A_660 = arith.cmpf olt, %sub3A_659, %select_n3A_648 : vector<2048x128xf32>
    %select_n3A_661 = arith.select %lt3A_660, %sub3A_659, %select_n3A_648 : vector<2048x128xi1>, vector<2048x128xf32>
    %jit3A_662 = arith.constant 1.400000e+01 : f32
    %broadcast_in_dim3A_663 = vector.broadcast %jit3A_662 : f32 to vector<2048x128xf32>
    %select_n3A_664 = arith.select %lt3A_660, %broadcast_in_dim3A_663, %select_n3A_651 : vector<2048x128xi1>, vector<2048x128xf32>
    %get3A_665 = arith.constant 0 : index
    %get3A_666 = arith.constant 6016 : index
    %get3A_667 = vector.load %arg4[%get3A_665, %get3A_666] : memref<1x8192xf32, #tpu.memory_space<vmem>>, vector<1x128xf32>
    %add3A_668 = vector.broadcast %get3A_1 : vector<2048x1xf32> to vector<2048x128xf32>
    %add3A_669 = vector.broadcast %get3A_667 : vector<1x128xf32> to vector<2048x128xf32>
    %add3A_670 = arith.addf %add3A_668, %add3A_669 : vector<2048x128xf32>
    %slice3A_671 = vector.extract_strided_slice %dot_general3A_472 {offsets = [0, 1920], sizes = [2048, 128], strides = [1, 1]} : vector<2048x2048xf32> to vector<2048x128xf32>
    %sub3A_672 = arith.subf %add3A_670, %slice3A_671 : vector<2048x128xf32>
    %lt3A_673 = arith.cmpf olt, %sub3A_672, %select_n3A_661 : vector<2048x128xf32>
    %select_n3A_674 = arith.select %lt3A_673, %sub3A_672, %select_n3A_661 : vector<2048x128xi1>, vector<2048x128xf32>
    %jit3A_675 = arith.constant 1.500000e+01 : f32
    %broadcast_in_dim3A_676 = vector.broadcast %jit3A_675 : f32 to vector<2048x128xf32>
    %select_n3A_677 = arith.select %lt3A_673, %broadcast_in_dim3A_676, %select_n3A_664 : vector<2048x128xi1>, vector<2048x128xf32>
    %reduce_min3A_678 = arith.constant dense<0x7F800000> : vector<2048xf32>
    %reduce_min3A_679 = vector.multi_reduction <minimumf>, %select_n3A_674, %reduce_min3A_678 [1] : vector<2048x128xf32> to vector<2048xf32>
    %broadcast_in_dim3A_680 = vector.shape_cast %reduce_min3A_679 : vector<2048xf32> to vector<2048x1xf32>
    %eq3A_681 = vector.broadcast %broadcast_in_dim3A_680 : vector<2048x1xf32> to vector<2048x128xf32>
    %eq3A_682 = arith.cmpf oeq, %select_n3A_674, %eq3A_681 : vector<2048x128xf32>
    %mul3A_683 = arith.constant 1.280000e+02 : f32
    %mul3A_684 = vector.broadcast %mul3A_683 : f32 to vector<2048x128xf32>
    %mul3A_685 = arith.mulf %select_n3A_677, %mul3A_684 : vector<2048x128xf32>
    %add3A_686 = vector.broadcast %get3A_10 : vector<1x128xf32> to vector<2048x128xf32>
    %add3A_687 = arith.addf %mul3A_685, %add3A_686 : vector<2048x128xf32>
    %add3A_688 = arith.constant 4.096000e+03 : f32
    %add3A_689 = vector.broadcast %add3A_688 : f32 to vector<2048x128xf32>
    %add3A_690 = arith.addf %add3A_687, %add3A_689 : vector<2048x128xf32>
    %jit3A_691 = arith.constant 0x7F800000 : f32
    %broadcast_in_dim3A_692 = vector.broadcast %jit3A_691 : f32 to vector<2048x128xf32>
    %select_n3A_693 = arith.select %eq3A_682, %add3A_690, %broadcast_in_dim3A_692 : vector<2048x128xi1>, vector<2048x128xf32>
    %reduce_min3A_694 = arith.constant dense<0x7F800000> : vector<2048xf32>
    %reduce_min3A_695 = vector.multi_reduction <minimumf>, %select_n3A_693, %reduce_min3A_694 [1] : vector<2048x128xf32> to vector<2048xf32>
    %broadcast_in_dim3A_696 = vector.shape_cast %reduce_min3A_695 : vector<2048xf32> to vector<2048x1xf32>
    %lt3A_697 = arith.cmpf olt, %broadcast_in_dim3A_680, %select_n3A_466 : vector<2048x1xf32>
    %convert_element_type3A_698 = arith.truncf %broadcast_in_dim3A_680 : vector<2048x1xf32> to vector<2048x1xbf16>
    %convert_element_type3A_699 = arith.extf %convert_element_type3A_698 : vector<2048x1xbf16> to vector<2048x1xf32>
    %select_n3A_700 = arith.select %lt3A_697, %convert_element_type3A_699, %select_n3A_466 : vector<2048x1xi1>, vector<2048x1xf32>
    %select_n3A_701 = arith.select %lt3A_697, %broadcast_in_dim3A_696, %select_n3A_467 : vector<2048x1xi1>, vector<2048x1xf32>
    %get3A_702 = arith.constant 0 : index
    %get3A_703 = arith.constant 6144 : index
    %get3A_704 = vector.load %arg3[%get3A_702, %get3A_703] : memref<32x8192xbf16, #tpu.memory_space<vmem>>, vector<32x2048xbf16>
    %dot_general3A_705 = arith.constant dense<0.000000e+00> : vector<2048x2048xf32>
    %dot_general3A_706 = tpu.matmul %get3A_4, %get3A_704, %dot_general3A_705 {dimension_numbers = #tpu.dot_dimension_numbers<[1], [0], [0], [1], [0, 0, 1, 1], [], []>, transpose_lhs_hint = false} : vector<2048x32xbf16>, vector<32x2048xbf16>, vector<2048x2048xf32> -> vector<2048x2048xf32>
    %get3A_707 = arith.constant 0 : index
    %get3A_708 = arith.constant 6144 : index
    %get3A_709 = vector.load %arg4[%get3A_707, %get3A_708] : memref<1x8192xf32, #tpu.memory_space<vmem>>, vector<1x128xf32>
    %add3A_710 = vector.broadcast %get3A_1 : vector<2048x1xf32> to vector<2048x128xf32>
    %add3A_711 = vector.broadcast %get3A_709 : vector<1x128xf32> to vector<2048x128xf32>
    %add3A_712 = arith.addf %add3A_710, %add3A_711 : vector<2048x128xf32>
    %slice3A_713 = vector.extract_strided_slice %dot_general3A_706 {offsets = [0, 0], sizes = [2048, 128], strides = [1, 1]} : vector<2048x2048xf32> to vector<2048x128xf32>
    %sub3A_714 = arith.subf %add3A_712, %slice3A_713 : vector<2048x128xf32>
    %broadcast_in_dim3A_715 = arith.constant 0.000000e+00 : f32
    %broadcast_in_dim3A_716 = vector.broadcast %broadcast_in_dim3A_715 : f32 to vector<2048x128xf32>
    %get3A_717 = arith.constant 0 : index
    %get3A_718 = arith.constant 6272 : index
    %get3A_719 = vector.load %arg4[%get3A_717, %get3A_718] : memref<1x8192xf32, #tpu.memory_space<vmem>>, vector<1x128xf32>
    %add3A_720 = vector.broadcast %get3A_1 : vector<2048x1xf32> to vector<2048x128xf32>
    %add3A_721 = vector.broadcast %get3A_719 : vector<1x128xf32> to vector<2048x128xf32>
    %add3A_722 = arith.addf %add3A_720, %add3A_721 : vector<2048x128xf32>
    %slice3A_723 = vector.extract_strided_slice %dot_general3A_706 {offsets = [0, 128], sizes = [2048, 128], strides = [1, 1]} : vector<2048x2048xf32> to vector<2048x128xf32>
    %sub3A_724 = arith.subf %add3A_722, %slice3A_723 : vector<2048x128xf32>
    %lt3A_725 = arith.cmpf olt, %sub3A_724, %sub3A_714 : vector<2048x128xf32>
    %select_n3A_726 = arith.select %lt3A_725, %sub3A_724, %sub3A_714 : vector<2048x128xi1>, vector<2048x128xf32>
    %jit3A_727 = arith.constant 1.000000e+00 : f32
    %broadcast_in_dim3A_728 = vector.broadcast %jit3A_727 : f32 to vector<2048x128xf32>
    %select_n3A_729 = arith.select %lt3A_725, %broadcast_in_dim3A_728, %broadcast_in_dim3A_716 : vector<2048x128xi1>, vector<2048x128xf32>
    %get3A_730 = arith.constant 0 : index
    %get3A_731 = arith.constant 6400 : index
    %get3A_732 = vector.load %arg4[%get3A_730, %get3A_731] : memref<1x8192xf32, #tpu.memory_space<vmem>>, vector<1x128xf32>
    %add3A_733 = vector.broadcast %get3A_1 : vector<2048x1xf32> to vector<2048x128xf32>
    %add3A_734 = vector.broadcast %get3A_732 : vector<1x128xf32> to vector<2048x128xf32>
    %add3A_735 = arith.addf %add3A_733, %add3A_734 : vector<2048x128xf32>
    %slice3A_736 = vector.extract_strided_slice %dot_general3A_706 {offsets = [0, 256], sizes = [2048, 128], strides = [1, 1]} : vector<2048x2048xf32> to vector<2048x128xf32>
    %sub3A_737 = arith.subf %add3A_735, %slice3A_736 : vector<2048x128xf32>
    %lt3A_738 = arith.cmpf olt, %sub3A_737, %select_n3A_726 : vector<2048x128xf32>
    %select_n3A_739 = arith.select %lt3A_738, %sub3A_737, %select_n3A_726 : vector<2048x128xi1>, vector<2048x128xf32>
    %jit3A_740 = arith.constant 2.000000e+00 : f32
    %broadcast_in_dim3A_741 = vector.broadcast %jit3A_740 : f32 to vector<2048x128xf32>
    %select_n3A_742 = arith.select %lt3A_738, %broadcast_in_dim3A_741, %select_n3A_729 : vector<2048x128xi1>, vector<2048x128xf32>
    %get3A_743 = arith.constant 0 : index
    %get3A_744 = arith.constant 6528 : index
    %get3A_745 = vector.load %arg4[%get3A_743, %get3A_744] : memref<1x8192xf32, #tpu.memory_space<vmem>>, vector<1x128xf32>
    %add3A_746 = vector.broadcast %get3A_1 : vector<2048x1xf32> to vector<2048x128xf32>
    %add3A_747 = vector.broadcast %get3A_745 : vector<1x128xf32> to vector<2048x128xf32>
    %add3A_748 = arith.addf %add3A_746, %add3A_747 : vector<2048x128xf32>
    %slice3A_749 = vector.extract_strided_slice %dot_general3A_706 {offsets = [0, 384], sizes = [2048, 128], strides = [1, 1]} : vector<2048x2048xf32> to vector<2048x128xf32>
    %sub3A_750 = arith.subf %add3A_748, %slice3A_749 : vector<2048x128xf32>
    %lt3A_751 = arith.cmpf olt, %sub3A_750, %select_n3A_739 : vector<2048x128xf32>
    %select_n3A_752 = arith.select %lt3A_751, %sub3A_750, %select_n3A_739 : vector<2048x128xi1>, vector<2048x128xf32>
    %jit3A_753 = arith.constant 3.000000e+00 : f32
    %broadcast_in_dim3A_754 = vector.broadcast %jit3A_753 : f32 to vector<2048x128xf32>
    %select_n3A_755 = arith.select %lt3A_751, %broadcast_in_dim3A_754, %select_n3A_742 : vector<2048x128xi1>, vector<2048x128xf32>
    %get3A_756 = arith.constant 0 : index
    %get3A_757 = arith.constant 6656 : index
    %get3A_758 = vector.load %arg4[%get3A_756, %get3A_757] : memref<1x8192xf32, #tpu.memory_space<vmem>>, vector<1x128xf32>
    %add3A_759 = vector.broadcast %get3A_1 : vector<2048x1xf32> to vector<2048x128xf32>
    %add3A_760 = vector.broadcast %get3A_758 : vector<1x128xf32> to vector<2048x128xf32>
    %add3A_761 = arith.addf %add3A_759, %add3A_760 : vector<2048x128xf32>
    %slice3A_762 = vector.extract_strided_slice %dot_general3A_706 {offsets = [0, 512], sizes = [2048, 128], strides = [1, 1]} : vector<2048x2048xf32> to vector<2048x128xf32>
    %sub3A_763 = arith.subf %add3A_761, %slice3A_762 : vector<2048x128xf32>
    %lt3A_764 = arith.cmpf olt, %sub3A_763, %select_n3A_752 : vector<2048x128xf32>
    %select_n3A_765 = arith.select %lt3A_764, %sub3A_763, %select_n3A_752 : vector<2048x128xi1>, vector<2048x128xf32>
    %jit3A_766 = arith.constant 4.000000e+00 : f32
    %broadcast_in_dim3A_767 = vector.broadcast %jit3A_766 : f32 to vector<2048x128xf32>
    %select_n3A_768 = arith.select %lt3A_764, %broadcast_in_dim3A_767, %select_n3A_755 : vector<2048x128xi1>, vector<2048x128xf32>
    %get3A_769 = arith.constant 0 : index
    %get3A_770 = arith.constant 6784 : index
    %get3A_771 = vector.load %arg4[%get3A_769, %get3A_770] : memref<1x8192xf32, #tpu.memory_space<vmem>>, vector<1x128xf32>
    %add3A_772 = vector.broadcast %get3A_1 : vector<2048x1xf32> to vector<2048x128xf32>
    %add3A_773 = vector.broadcast %get3A_771 : vector<1x128xf32> to vector<2048x128xf32>
    %add3A_774 = arith.addf %add3A_772, %add3A_773 : vector<2048x128xf32>
    %slice3A_775 = vector.extract_strided_slice %dot_general3A_706 {offsets = [0, 640], sizes = [2048, 128], strides = [1, 1]} : vector<2048x2048xf32> to vector<2048x128xf32>
    %sub3A_776 = arith.subf %add3A_774, %slice3A_775 : vector<2048x128xf32>
    %lt3A_777 = arith.cmpf olt, %sub3A_776, %select_n3A_765 : vector<2048x128xf32>
    %select_n3A_778 = arith.select %lt3A_777, %sub3A_776, %select_n3A_765 : vector<2048x128xi1>, vector<2048x128xf32>
    %jit3A_779 = arith.constant 5.000000e+00 : f32
    %broadcast_in_dim3A_780 = vector.broadcast %jit3A_779 : f32 to vector<2048x128xf32>
    %select_n3A_781 = arith.select %lt3A_777, %broadcast_in_dim3A_780, %select_n3A_768 : vector<2048x128xi1>, vector<2048x128xf32>
    %get3A_782 = arith.constant 0 : index
    %get3A_783 = arith.constant 6912 : index
    %get3A_784 = vector.load %arg4[%get3A_782, %get3A_783] : memref<1x8192xf32, #tpu.memory_space<vmem>>, vector<1x128xf32>
    %add3A_785 = vector.broadcast %get3A_1 : vector<2048x1xf32> to vector<2048x128xf32>
    %add3A_786 = vector.broadcast %get3A_784 : vector<1x128xf32> to vector<2048x128xf32>
    %add3A_787 = arith.addf %add3A_785, %add3A_786 : vector<2048x128xf32>
    %slice3A_788 = vector.extract_strided_slice %dot_general3A_706 {offsets = [0, 768], sizes = [2048, 128], strides = [1, 1]} : vector<2048x2048xf32> to vector<2048x128xf32>
    %sub3A_789 = arith.subf %add3A_787, %slice3A_788 : vector<2048x128xf32>
    %lt3A_790 = arith.cmpf olt, %sub3A_789, %select_n3A_778 : vector<2048x128xf32>
    %select_n3A_791 = arith.select %lt3A_790, %sub3A_789, %select_n3A_778 : vector<2048x128xi1>, vector<2048x128xf32>
    %jit3A_792 = arith.constant 6.000000e+00 : f32
    %broadcast_in_dim3A_793 = vector.broadcast %jit3A_792 : f32 to vector<2048x128xf32>
    %select_n3A_794 = arith.select %lt3A_790, %broadcast_in_dim3A_793, %select_n3A_781 : vector<2048x128xi1>, vector<2048x128xf32>
    %get3A_795 = arith.constant 0 : index
    %get3A_796 = arith.constant 7040 : index
    %get3A_797 = vector.load %arg4[%get3A_795, %get3A_796] : memref<1x8192xf32, #tpu.memory_space<vmem>>, vector<1x128xf32>
    %add3A_798 = vector.broadcast %get3A_1 : vector<2048x1xf32> to vector<2048x128xf32>
    %add3A_799 = vector.broadcast %get3A_797 : vector<1x128xf32> to vector<2048x128xf32>
    %add3A_800 = arith.addf %add3A_798, %add3A_799 : vector<2048x128xf32>
    %slice3A_801 = vector.extract_strided_slice %dot_general3A_706 {offsets = [0, 896], sizes = [2048, 128], strides = [1, 1]} : vector<2048x2048xf32> to vector<2048x128xf32>
    %sub3A_802 = arith.subf %add3A_800, %slice3A_801 : vector<2048x128xf32>
    %lt3A_803 = arith.cmpf olt, %sub3A_802, %select_n3A_791 : vector<2048x128xf32>
    %select_n3A_804 = arith.select %lt3A_803, %sub3A_802, %select_n3A_791 : vector<2048x128xi1>, vector<2048x128xf32>
    %jit3A_805 = arith.constant 7.000000e+00 : f32
    %broadcast_in_dim3A_806 = vector.broadcast %jit3A_805 : f32 to vector<2048x128xf32>
    %select_n3A_807 = arith.select %lt3A_803, %broadcast_in_dim3A_806, %select_n3A_794 : vector<2048x128xi1>, vector<2048x128xf32>
    %get3A_808 = arith.constant 0 : index
    %get3A_809 = arith.constant 7168 : index
    %get3A_810 = vector.load %arg4[%get3A_808, %get3A_809] : memref<1x8192xf32, #tpu.memory_space<vmem>>, vector<1x128xf32>
    %add3A_811 = vector.broadcast %get3A_1 : vector<2048x1xf32> to vector<2048x128xf32>
    %add3A_812 = vector.broadcast %get3A_810 : vector<1x128xf32> to vector<2048x128xf32>
    %add3A_813 = arith.addf %add3A_811, %add3A_812 : vector<2048x128xf32>
    %slice3A_814 = vector.extract_strided_slice %dot_general3A_706 {offsets = [0, 1024], sizes = [2048, 128], strides = [1, 1]} : vector<2048x2048xf32> to vector<2048x128xf32>
    %sub3A_815 = arith.subf %add3A_813, %slice3A_814 : vector<2048x128xf32>
    %lt3A_816 = arith.cmpf olt, %sub3A_815, %select_n3A_804 : vector<2048x128xf32>
    %select_n3A_817 = arith.select %lt3A_816, %sub3A_815, %select_n3A_804 : vector<2048x128xi1>, vector<2048x128xf32>
    %jit3A_818 = arith.constant 8.000000e+00 : f32
    %broadcast_in_dim3A_819 = vector.broadcast %jit3A_818 : f32 to vector<2048x128xf32>
    %select_n3A_820 = arith.select %lt3A_816, %broadcast_in_dim3A_819, %select_n3A_807 : vector<2048x128xi1>, vector<2048x128xf32>
    %get3A_821 = arith.constant 0 : index
    %get3A_822 = arith.constant 7296 : index
    %get3A_823 = vector.load %arg4[%get3A_821, %get3A_822] : memref<1x8192xf32, #tpu.memory_space<vmem>>, vector<1x128xf32>
    %add3A_824 = vector.broadcast %get3A_1 : vector<2048x1xf32> to vector<2048x128xf32>
    %add3A_825 = vector.broadcast %get3A_823 : vector<1x128xf32> to vector<2048x128xf32>
    %add3A_826 = arith.addf %add3A_824, %add3A_825 : vector<2048x128xf32>
    %slice3A_827 = vector.extract_strided_slice %dot_general3A_706 {offsets = [0, 1152], sizes = [2048, 128], strides = [1, 1]} : vector<2048x2048xf32> to vector<2048x128xf32>
    %sub3A_828 = arith.subf %add3A_826, %slice3A_827 : vector<2048x128xf32>
    %lt3A_829 = arith.cmpf olt, %sub3A_828, %select_n3A_817 : vector<2048x128xf32>
    %select_n3A_830 = arith.select %lt3A_829, %sub3A_828, %select_n3A_817 : vector<2048x128xi1>, vector<2048x128xf32>
    %jit3A_831 = arith.constant 9.000000e+00 : f32
    %broadcast_in_dim3A_832 = vector.broadcast %jit3A_831 : f32 to vector<2048x128xf32>
    %select_n3A_833 = arith.select %lt3A_829, %broadcast_in_dim3A_832, %select_n3A_820 : vector<2048x128xi1>, vector<2048x128xf32>
    %get3A_834 = arith.constant 0 : index
    %get3A_835 = arith.constant 7424 : index
    %get3A_836 = vector.load %arg4[%get3A_834, %get3A_835] : memref<1x8192xf32, #tpu.memory_space<vmem>>, vector<1x128xf32>
    %add3A_837 = vector.broadcast %get3A_1 : vector<2048x1xf32> to vector<2048x128xf32>
    %add3A_838 = vector.broadcast %get3A_836 : vector<1x128xf32> to vector<2048x128xf32>
    %add3A_839 = arith.addf %add3A_837, %add3A_838 : vector<2048x128xf32>
    %slice3A_840 = vector.extract_strided_slice %dot_general3A_706 {offsets = [0, 1280], sizes = [2048, 128], strides = [1, 1]} : vector<2048x2048xf32> to vector<2048x128xf32>
    %sub3A_841 = arith.subf %add3A_839, %slice3A_840 : vector<2048x128xf32>
    %lt3A_842 = arith.cmpf olt, %sub3A_841, %select_n3A_830 : vector<2048x128xf32>
    %select_n3A_843 = arith.select %lt3A_842, %sub3A_841, %select_n3A_830 : vector<2048x128xi1>, vector<2048x128xf32>
    %jit3A_844 = arith.constant 1.000000e+01 : f32
    %broadcast_in_dim3A_845 = vector.broadcast %jit3A_844 : f32 to vector<2048x128xf32>
    %select_n3A_846 = arith.select %lt3A_842, %broadcast_in_dim3A_845, %select_n3A_833 : vector<2048x128xi1>, vector<2048x128xf32>
    %get3A_847 = arith.constant 0 : index
    %get3A_848 = arith.constant 7552 : index
    %get3A_849 = vector.load %arg4[%get3A_847, %get3A_848] : memref<1x8192xf32, #tpu.memory_space<vmem>>, vector<1x128xf32>
    %add3A_850 = vector.broadcast %get3A_1 : vector<2048x1xf32> to vector<2048x128xf32>
    %add3A_851 = vector.broadcast %get3A_849 : vector<1x128xf32> to vector<2048x128xf32>
    %add3A_852 = arith.addf %add3A_850, %add3A_851 : vector<2048x128xf32>
    %slice3A_853 = vector.extract_strided_slice %dot_general3A_706 {offsets = [0, 1408], sizes = [2048, 128], strides = [1, 1]} : vector<2048x2048xf32> to vector<2048x128xf32>
    %sub3A_854 = arith.subf %add3A_852, %slice3A_853 : vector<2048x128xf32>
    %lt3A_855 = arith.cmpf olt, %sub3A_854, %select_n3A_843 : vector<2048x128xf32>
    %select_n3A_856 = arith.select %lt3A_855, %sub3A_854, %select_n3A_843 : vector<2048x128xi1>, vector<2048x128xf32>
    %jit3A_857 = arith.constant 1.100000e+01 : f32
    %broadcast_in_dim3A_858 = vector.broadcast %jit3A_857 : f32 to vector<2048x128xf32>
    %select_n3A_859 = arith.select %lt3A_855, %broadcast_in_dim3A_858, %select_n3A_846 : vector<2048x128xi1>, vector<2048x128xf32>
    %get3A_860 = arith.constant 0 : index
    %get3A_861 = arith.constant 7680 : index
    %get3A_862 = vector.load %arg4[%get3A_860, %get3A_861] : memref<1x8192xf32, #tpu.memory_space<vmem>>, vector<1x128xf32>
    %add3A_863 = vector.broadcast %get3A_1 : vector<2048x1xf32> to vector<2048x128xf32>
    %add3A_864 = vector.broadcast %get3A_862 : vector<1x128xf32> to vector<2048x128xf32>
    %add3A_865 = arith.addf %add3A_863, %add3A_864 : vector<2048x128xf32>
    %slice3A_866 = vector.extract_strided_slice %dot_general3A_706 {offsets = [0, 1536], sizes = [2048, 128], strides = [1, 1]} : vector<2048x2048xf32> to vector<2048x128xf32>
    %sub3A_867 = arith.subf %add3A_865, %slice3A_866 : vector<2048x128xf32>
    %lt3A_868 = arith.cmpf olt, %sub3A_867, %select_n3A_856 : vector<2048x128xf32>
    %select_n3A_869 = arith.select %lt3A_868, %sub3A_867, %select_n3A_856 : vector<2048x128xi1>, vector<2048x128xf32>
    %jit3A_870 = arith.constant 1.200000e+01 : f32
    %broadcast_in_dim3A_871 = vector.broadcast %jit3A_870 : f32 to vector<2048x128xf32>
    %select_n3A_872 = arith.select %lt3A_868, %broadcast_in_dim3A_871, %select_n3A_859 : vector<2048x128xi1>, vector<2048x128xf32>
    %get3A_873 = arith.constant 0 : index
    %get3A_874 = arith.constant 7808 : index
    %get3A_875 = vector.load %arg4[%get3A_873, %get3A_874] : memref<1x8192xf32, #tpu.memory_space<vmem>>, vector<1x128xf32>
    %add3A_876 = vector.broadcast %get3A_1 : vector<2048x1xf32> to vector<2048x128xf32>
    %add3A_877 = vector.broadcast %get3A_875 : vector<1x128xf32> to vector<2048x128xf32>
    %add3A_878 = arith.addf %add3A_876, %add3A_877 : vector<2048x128xf32>
    %slice3A_879 = vector.extract_strided_slice %dot_general3A_706 {offsets = [0, 1664], sizes = [2048, 128], strides = [1, 1]} : vector<2048x2048xf32> to vector<2048x128xf32>
    %sub3A_880 = arith.subf %add3A_878, %slice3A_879 : vector<2048x128xf32>
    %lt3A_881 = arith.cmpf olt, %sub3A_880, %select_n3A_869 : vector<2048x128xf32>
    %select_n3A_882 = arith.select %lt3A_881, %sub3A_880, %select_n3A_869 : vector<2048x128xi1>, vector<2048x128xf32>
    %jit3A_883 = arith.constant 1.300000e+01 : f32
    %broadcast_in_dim3A_884 = vector.broadcast %jit3A_883 : f32 to vector<2048x128xf32>
    %select_n3A_885 = arith.select %lt3A_881, %broadcast_in_dim3A_884, %select_n3A_872 : vector<2048x128xi1>, vector<2048x128xf32>
    %get3A_886 = arith.constant 0 : index
    %get3A_887 = arith.constant 7936 : index
    %get3A_888 = vector.load %arg4[%get3A_886, %get3A_887] : memref<1x8192xf32, #tpu.memory_space<vmem>>, vector<1x128xf32>
    %add3A_889 = vector.broadcast %get3A_1 : vector<2048x1xf32> to vector<2048x128xf32>
    %add3A_890 = vector.broadcast %get3A_888 : vector<1x128xf32> to vector<2048x128xf32>
    %add3A_891 = arith.addf %add3A_889, %add3A_890 : vector<2048x128xf32>
    %slice3A_892 = vector.extract_strided_slice %dot_general3A_706 {offsets = [0, 1792], sizes = [2048, 128], strides = [1, 1]} : vector<2048x2048xf32> to vector<2048x128xf32>
    %sub3A_893 = arith.subf %add3A_891, %slice3A_892 : vector<2048x128xf32>
    %lt3A_894 = arith.cmpf olt, %sub3A_893, %select_n3A_882 : vector<2048x128xf32>
    %select_n3A_895 = arith.select %lt3A_894, %sub3A_893, %select_n3A_882 : vector<2048x128xi1>, vector<2048x128xf32>
    %jit3A_896 = arith.constant 1.400000e+01 : f32
    %broadcast_in_dim3A_897 = vector.broadcast %jit3A_896 : f32 to vector<2048x128xf32>
    %select_n3A_898 = arith.select %lt3A_894, %broadcast_in_dim3A_897, %select_n3A_885 : vector<2048x128xi1>, vector<2048x128xf32>
    %get3A_899 = arith.constant 0 : index
    %get3A_900 = arith.constant 8064 : index
    %get3A_901 = vector.load %arg4[%get3A_899, %get3A_900] : memref<1x8192xf32, #tpu.memory_space<vmem>>, vector<1x128xf32>
    %add3A_902 = vector.broadcast %get3A_1 : vector<2048x1xf32> to vector<2048x128xf32>
    %add3A_903 = vector.broadcast %get3A_901 : vector<1x128xf32> to vector<2048x128xf32>
    %add3A_904 = arith.addf %add3A_902, %add3A_903 : vector<2048x128xf32>
    %slice3A_905 = vector.extract_strided_slice %dot_general3A_706 {offsets = [0, 1920], sizes = [2048, 128], strides = [1, 1]} : vector<2048x2048xf32> to vector<2048x128xf32>
    %sub3A_906 = arith.subf %add3A_904, %slice3A_905 : vector<2048x128xf32>
    %lt3A_907 = arith.cmpf olt, %sub3A_906, %select_n3A_895 : vector<2048x128xf32>
    %select_n3A_908 = arith.select %lt3A_907, %sub3A_906, %select_n3A_895 : vector<2048x128xi1>, vector<2048x128xf32>
    %jit3A_909 = arith.constant 1.500000e+01 : f32
    %broadcast_in_dim3A_910 = vector.broadcast %jit3A_909 : f32 to vector<2048x128xf32>
    %select_n3A_911 = arith.select %lt3A_907, %broadcast_in_dim3A_910, %select_n3A_898 : vector<2048x128xi1>, vector<2048x128xf32>
    %reduce_min3A_912 = arith.constant dense<0x7F800000> : vector<2048xf32>
    %reduce_min3A_913 = vector.multi_reduction <minimumf>, %select_n3A_908, %reduce_min3A_912 [1] : vector<2048x128xf32> to vector<2048xf32>
    %broadcast_in_dim3A_914 = vector.shape_cast %reduce_min3A_913 : vector<2048xf32> to vector<2048x1xf32>
    %eq3A_915 = vector.broadcast %broadcast_in_dim3A_914 : vector<2048x1xf32> to vector<2048x128xf32>
    %eq3A_916 = arith.cmpf oeq, %select_n3A_908, %eq3A_915 : vector<2048x128xf32>
    %mul3A_917 = arith.constant 1.280000e+02 : f32
    %mul3A_918 = vector.broadcast %mul3A_917 : f32 to vector<2048x128xf32>
    %mul3A_919 = arith.mulf %select_n3A_911, %mul3A_918 : vector<2048x128xf32>
    %add3A_920 = vector.broadcast %get3A_10 : vector<1x128xf32> to vector<2048x128xf32>
    %add3A_921 = arith.addf %mul3A_919, %add3A_920 : vector<2048x128xf32>
    %add3A_922 = arith.constant 6.144000e+03 : f32
    %add3A_923 = vector.broadcast %add3A_922 : f32 to vector<2048x128xf32>
    %add3A_924 = arith.addf %add3A_921, %add3A_923 : vector<2048x128xf32>
    %jit3A_925 = arith.constant 0x7F800000 : f32
    %broadcast_in_dim3A_926 = vector.broadcast %jit3A_925 : f32 to vector<2048x128xf32>
    %select_n3A_927 = arith.select %eq3A_916, %add3A_924, %broadcast_in_dim3A_926 : vector<2048x128xi1>, vector<2048x128xf32>
    %reduce_min3A_928 = arith.constant dense<0x7F800000> : vector<2048xf32>
    %reduce_min3A_929 = vector.multi_reduction <minimumf>, %select_n3A_927, %reduce_min3A_928 [1] : vector<2048x128xf32> to vector<2048xf32>
    %broadcast_in_dim3A_930 = vector.shape_cast %reduce_min3A_929 : vector<2048xf32> to vector<2048x1xf32>
    %lt3A_931 = arith.cmpf olt, %broadcast_in_dim3A_914, %select_n3A_700 : vector<2048x1xf32>
    %select_n3A_932 = arith.select %lt3A_931, %broadcast_in_dim3A_930, %select_n3A_701 : vector<2048x1xi1>, vector<2048x1xf32>
    %convert_element_type3A_933 = arith.fptosi %select_n3A_932 : vector<2048x1xf32> to vector<2048x1xi32>
    %swap3A = arith.constant 0 : index
    %swap3A_934 = arith.constant 0 : index
    %swap3A_935 = vector.load %arg6[%swap3A, %swap3A_934] : memref<2048x1xi32, #tpu.memory_space<vmem>>, vector<2048x1xi32>
    tpu.vector_store %arg6[%swap3A, %swap3A_934], %convert_element_type3A_933 {strides = array<i32>} : memref<2048x1xi32, #tpu.memory_space<vmem>>, vector<2048x1xi32>,
    return
  }
  func.func @transform_0(%arg0: i32) -> (i32, i32) {
    %c0_i32 = arith.constant 0 : i32
    %c0_i32_0 = arith.constant 0 : i32
    return %arg0, %c0_i32 : i32, i32
  }
  func.func @transform_1(%arg0: i32) -> (i32, i32) {
    %c0_i32 = arith.constant 0 : i32
    %c0_i32_0 = arith.constant 0 : i32
    return %arg0, %c0_i32 : i32, i32
  }
  func.func @transform_2(%arg0: i32) -> (i32, i32) {
    %c0_i32 = arith.constant 0 : i32
    %c0_i32_0 = arith.constant 0 : i32
    %c0_i32_1 = arith.constant 0 : i32
    return %c0_i32, %c0_i32_0 : i32, i32
  }
  func.func @transform_3(%arg0: i32) -> (i32, i32) {
    %c0_i32 = arith.constant 0 : i32
    %c0_i32_0 = arith.constant 0 : i32
    %c0_i32_1 = arith.constant 0 : i32
    return %c0_i32, %c0_i32_0 : i32, i32
  }
  func.func @transform_4(%arg0: i32) -> (i32, i32) {
    %c0_i32 = arith.constant 0 : i32
    %c0_i32_0 = arith.constant 0 : i32
    %c0_i32_1 = arith.constant 0 : i32
    return %c0_i32, %c0_i32_0 : i32, i32
  }
  func.func @transform_5(%arg0: i32) -> (i32, i32) {
    %c0_i32 = arith.constant 0 : i32
    %c0_i32_0 = arith.constant 0 : i32
    return %arg0, %c0_i32 : i32, i32
  }
}

</mosaic_0001>

<sc_bundles>
// kernel: kernel.4.cloned.1.call-start
scs
__scs_entry_jumppad:
0x0: {  	(pc) =	sbr.rel $0x88, $3  }
0x1: {  	(tag) =	ssettag $0x0;
	lr =	simm.s32 $0x1  }
0x2: {  	[smem:$0x3F9F] =	sst lr;
	_ =	strace $0xD0000000  }
0x3: {  	_ = 	snop  }
0x4: {  	_ = 	snop  }
0x5: {  	_ = 	snop  }
0x6: {  	_ = 	snop  }
0x7: {  	_ = 	snop  }
__scs_overlays_trampoline_lowered:
0x8: {  	[smem:$0x3FAE] =	sst s0  }
0x9: {  	[smem:$0x3FAF] =	sst s1  }
0xa: {  	[smem:$0x3FB0] =	sst s2  }
0xb: {  	[smem:$0x3FB1] =	sst s3  }
0xc: {  	[smem:$0x3FB2] =	sst s4  }
0xd: {  	[smem:$0x3FB3] =	sst s5  }
0xe: {  	[smem:$0x3FB4] =	sst s6  }
0xf: {  	[smem:$0x3FB5] =	sst s7  }
0x10: {  	[smem:$0x3FB6] =	sst s8  }
0x11: {  	[smem:$0x3FB7] =	sst s9;
	s0 =	simm.s32 @!p0 $0x0  }
0x12: {  	s1 =	sld [smem:$0x3F9D];
	s0 =	simm.s32 @p0 $0x1  }
0x13: {  	[smem:$0x3FB8] =	sst s0;
	s0 =	simm.s32 @!p1 $0x0  }
0x14: {  	s2 =	sld [smem:$0x3F9C];
	s0 =	simm.s32 @p1 $0x1  }
0x15: {  	[smem:$0x3FB9] =	sst s0;
	s0 =	simm.s32 @!p2 $0x0  }
0x16: {  	s3 =	sld [smem:$0x3FDB];
	s0 =	simm.s32 @p2 $0x1  }
0x17: {  	s4 =	simm.s32 $0x1BF5;
	[smem:$0x3FBB] =	sst s0  }
0x18: {  	s0 =	sld [smem:$0x3F9E];
	_ =	swait.ge [sflag:s4], $0x0  }
0x19: {  	s7 =	sld [smem:$0x3F9F]  }
0x1a: {  	s8 =	sadd.s32 $0xFFFFE003, lr  }
0x1b: {  	s9 =	sadd.s32 $0xFFFFFEF7, lr;
	s5 =	simm.s32 $0xFFFFFFFF;
	p2 =	slt.u32 s8, $0xFFFFF086  }
0x1c: {  	p1 =	slt.u32 s9, $0xF7A;
	s5 =	simm.s32 @!p2 $0x0  }
0x1d: {  	s5 =	simm.s32 @p1 $0x1;
	p0 =	seq.s32 s7, s2  }
0x1e: {  	s7 =	smul.u32 @!p0 $0xF7A, s2;
	p2 =	seq.s32 @!p0 s5, $0x0  }
0x1f: {  	s9 =	smul.u32 $0xF7A, s1;
	s8 =	simm.s32 @!p0 $0x1BF5;
	p2 =	por !p2, p0  }
0x20: {  	[sflag:s8] =	ssyncset.s32 @!p0 $0xFFFFF086;
	s6 =	sadd.s32 @!p0 s3, s7;
	s7 =	simm.s32 @!p0 $0x108  }
0x21: {  	s3 =	sadd.s32 s3, s9;
	s6 =	sadd.s32 @!p0 $0x88, s6;
	s7 =	simm.s32 @p2 $0x1082  }
0x22: {  	[simem:s7], [sflag:s8] =	dma.local @!p0 [hbm:s6], $0xF7A  }
0x23: {  	s9 =	sor.u32 $0xD0000000, s2;
	s6 =	simm.s32 $0x108;
	_ =	swait.ge @!p0 [sflag:s8], $0x0  }
0x24: {  	s3 =	sadd.s32 $0x88, s3;
	s6 =	simm.s32 @!p1 $0x1082;
	[sflag:s4] =	ssyncset.s32 $0xFFFFF086  }
0x25: {  	[simem:s6], [sflag:s4] =	dma.local [hbm:s3], $0xF7A  }
0x26: {  	[smem:$0x3F9F] =	sst s1;
	(tag) =	ssettag s2;
	_ =	strace s9  }
0x27: {  	s1 =	sld [smem:$0x3FAF]  }
0x28: {  	s2 =	sld [smem:$0x3FB0]  }
0x29: {  	s4 =	sld [smem:$0x3FB2]  }
0x2a: {  	p0 =	seq.s32 s5, $0x0;
	s5 =	sld [smem:$0x3FB3]  }
0x2b: {  	s6 =	sld [smem:$0x3FB4]  }
0x2c: {  	s7 =	sld [smem:$0x3FB5]  }
0x2d: {  	s3 =	simm.s32 $0x108;
	s8 =	sld [smem:$0x3FB6]  }
0x2e: {  	s3 =	simm.s32 @!p0 $0x1082;
	s9 =	sld [smem:$0x3FB7]  }
0x2f: {  	lr =	sadd.s32 s0, s3;
	s0 =	sld [smem:$0x3FAE]  }
0x30: {  	s3 =	sld [smem:$0x3FB1]  }
0x31: {  	[smem:$0x3FBA] =	sst s10  }
0x32: {  	s10 =	sld [smem:$0x3FB8];
	_ =	sdelay $0x3  }
0x33: {  	p0 =	seq.s32 s10, $0x1;
	s10 =	sld [smem:$0x3FBA];
	_ =	sdelay $0x3  }
0x34: {  	[smem:$0x3FBA] =	sst s10  }
0x35: {  	s10 =	sld [smem:$0x3FB9];
	_ =	sdelay $0x3  }
0x36: {  	p1 =	seq.s32 s10, $0x1;
	s10 =	sld [smem:$0x3FBA];
	_ =	sdelay $0x3  }
0x37: {  	[smem:$0x3FBA] =	sst s10  }
0x38: {  	s10 =	sld [smem:$0x3FBB]  }
0x39: {  	_ = 	snop;
	(pc) =	sbr.ind lr, $3  }
0x3a: {  	_ = 	snop  }
0x3b: {  	_ = 	snop  }
0x3c: {  	p2 =	seq.s32 s10, $0x1;
	s10 =	sld [smem:$0x3FBA]  }
0x3d: {  	_ =	shalt  }
0x3e: {  	_ =	shalt  }
0x3f: {  	_ =	shalt  }
0x40: {  	_ =	shalt  }
0x41: {  	_ =	shalt  }
0x42: {  	_ =	shalt  }
0x43: {  	_ =	shalt  }
0x44: {  	_ =	shalt  }
0x45: {  	_ =	shalt  }
0x46: {  	_ =	shalt  }
0x47: {  	_ =	shalt  }
0x48: {  	_ =	shalt  }
0x49: {  	_ =	shalt  }
0x4a: {  	_ =	shalt  }
0x4b: {  	_ =	shalt  }
0x4c: {  	_ =	shalt  }
0x4d: {  	_ =	shalt  }
0x4e: {  	_ =	shalt  }
0x4f: {  	_ =	shalt  }
0x50: {  	_ =	shalt  }
0x51: {  	_ =	shalt  }
0x52: {  	_ =	shalt  }
0x53: {  	_ =	shalt  }
0x54: {  	_ =	shalt  }
0x55: {  	_ =	shalt  }
0x56: {  	_ =	shalt  }
0x57: {  	_ =	shalt  }
0x58: {  	_ =	shalt  }
0x59: {  	_ =	shalt  }
0x5a: {  	_ =	shalt  }
0x5b: {  	_ =	shalt  }
0x5c: {  	_ =	shalt  }
0x5d: {  	_ =	shalt  }
0x5e: {  	_ =	shalt  }
0x5f: {  	_ =	shalt  }
0x60: {  	_ =	shalt  }
0x61: {  	_ =	shalt  }
0x62: {  	_ =	shalt  }
0x63: {  	_ =	shalt  }
0x64: {  	_ =	shalt  }
0x65: {  	_ =	shalt  }
0x66: {  	_ =	shalt  }
0x67: {  	_ =	shalt  }
0x68: {  	_ =	shalt  }
0x69: {  	_ =	shalt  }
0x6a: {  	_ =	shalt  }
0x6b: {  	_ =	shalt  }
0x6c: {  	_ =	shalt  }
0x6d: {  	_ =	shalt  }
0x6e: {  	_ =	shalt  }
0x6f: {  	_ =	shalt  }
0x70: {  	_ =	shalt  }
0x71: {  	_ =	shalt  }
0x72: {  	_ =	shalt  }
0x73: {  	_ =	shalt  }
0x74: {  	_ =	shalt  }
0x75: {  	_ =	shalt  }
0x76: {  	_ =	shalt  }
0x77: {  	_ =	shalt  }
0x78: {  	_ =	shalt  }
0x79: {  	_ =	shalt  }
0x7a: {  	_ =	shalt  }
0x7b: {  	_ =	shalt  }
0x7c: {  	_ =	shalt  }
0x7d: {  	_ =	shalt  }
0x7e: {  	_ =	shalt  }
0x7f: {  	_ =	shalt  }
0x80: {  	_ =	shalt  }
0x81: {  	_ =	shalt  }
0x82: {  	_ =	shalt  }
0x83: {  	_ =	shalt  }
0x84: {  	_ =	shalt  }
0x85: {  	_ =	shalt  }
0x86: {  	_ =	shalt  }
0x87: {  	_ =	shalt  }
.Lfunc_end0:
.L_simem_size_0:
called_computation_lowered:
.L_overlay_start_0:
0x88: {  	s2 =	sld [smem:$0x3FD9]  }
0x89: {  	s3 =	sld [smem:$0x3FFE];
	_ =	sdelay $0x1  }
0x8a: {  	s1 =	srdreg.scid  }
0x8b: {  	s0 =	sand.u32 $0x1, s1  }
0x8c: {  	s14 =	sshll.u32 s0, $0xA;
	s2 =	sadd.s32 s3, s2  }
0x8d: {  	s2 =	sadd.s32 s2, s14  }
0x8e: {  	[smem:$0x3FC6] =	sst s2  }
0x8f: {  	_ = 	snop  }
0x90: {  	s2 =	sld [smem:$0x3FD0];
	_ =	sdelay $0x2  }
0x91: {  	s15 =	simm.s32 $0xA;
	s4 =	simm.s32 $0x10  }
0x92: {  	[smem:s4], [sflag:s15] =	dma.local [hbm:s2], $0x1  }
0x93: {  	_ =	swait.eq [sflag:s15], $0x1  }
0x94: {  	[sflag:s15] =	ssyncset.done $0x0  }
0x95: {  	[sflag:s15] =	ssyncadd.s32 $0xFFFFFFFF  }
0x96: {  	s16 =	sld [smem:$0x10];
	(tm) =	ssettm $0x1  }
0x97: {  	s17 =	sld [smem:$0x3FFB];
	_ =	sdelay $0x3  }
0x98: {  	_ =	strace s17  }
0x99: {  	s3 =	sld [smem:$0x3FFC];
	_ =	sdelay $0x3  }
0x9a: {  	_ =	strace s3  }
0x9b: {  	s3 =	sld [smem:$0x3FFD];
	_ =	sdelay $0x3  }
0x9c: {  	_ =	strace s3  }
0x9d: {  	_ =	strace $0x8FFFFFFF  }
0x9e: {  	s18 =	sld [smem:$0x3FDB];
	_ =	sdelay $0x1  }
0x9f: {  	s19 =	simm.s32 $_scs_section_size  }
0xa0: {  	s5 =	simm.s32 $_size__tile_overlayer_lowered;
	s6 =	simm.s32 $_tile_overlayer_lowered  }
0xa1: {  	s22 =	simm.s32 $0x1BFF;
	s21 =	sshll.u32 s6, $0x1;
	s3 =	sadd.s32 s19, s18  }
0xa2: {  	s7 =	simm.s32 $0x0;
	s20 =	sshll.u32 s5, $0x1;
	s5 =	sadd.s32 s21, s3  }
0xa3: {  	[timem:s7], [sflag:s22] =	dma.local [hbm:s5], s20  }
0xa4: {  	_ =	swait.ge [sflag:s22], s20  }
0xa5: {  	s4 =	ssub.s32 $0x0, s20;
	[sflag:s22] =	ssyncset.done $0x0  }
0xa6: {  	[sflag:s22] =	ssyncadd.s32 s4;
	_ =	sdelay $0x1  }
0xa7: {  	s23 =	simm.s32 $0x1B8B  }
0xa8: {  	_ =	swait.ge [sflag:s23], $0x1  }
0xa9: {  	[sflag:s23] =	ssyncset.done $0x0  }
0xaa: {  	s25 =	simm.s32 $0x1B8E;
	s24 =	sld [smem:$0x3FFE];
	[sflag:s23] =	ssyncadd.s32 $0xFFFFFFFF  }
0xab: {  	s26 =	simm.s32 $execute0_lowered;
	[smem:$0x3FD2] =	sst s25  }
0xac: {  	s5 =	sshll.u32 s26, $0x1;
	_ =	strace $0x80000046;
	[dreg:$0x1] =	wrdreg $0xFFFFFFFF  }
0xad: {  	s28 =	simm.s32 $_size_execute0_lowered;
	s3 =	sadd.s32 s3, s5;
	[dreg:$0x0] =	wrdreg $0x0  }
0xae: {  	s5 =	sshll.u32 s28, $0x1;
	[dreg:$0x2] =	wrdreg s3  }
0xaf: {  	[dreg:$0x3] =	wrdreg s5  }
0xb0: {  	[dreg:$0x4] =	wrdreg $0xC0  }
0xb1: {  	_ =	task [dreg:s7], $0x5FFFF  }
0xb2: {  	[dreg:$0x1] =	wrdreg $0xFFFFFFFF  }
0xb3: {  	[dreg:$0x0] =	wrdreg $0x60  }
0xb4: {  	[dreg:$0x2] =	wrdreg s16  }
0xb5: {  	[dreg:$0x3] =	wrdreg s24  }
0xb6: {  	[dreg:$0x4] =	wrdreg $0x9  }
0xb7: {  	_ =	task.clear_ibuf [dreg:s7], $0x5FFFF;
	_ =	strace $0x90000046  }
0xb8: {  	s29 =	simm.s32 $0x9;
	_ =	strace $0x80000048  }
0xb9: {  	_ =	swait.ge [sflag:s29], $0x1  }
0xba: {  	[sflag:s29] =	ssyncadd.s32 $0xFFFFFFFF  }
0xbb: {  	_ =	strace $0x90000048  }
0xbc: {  	_ =	sfence  }
0xbd: {  	s30 =	sld [smem:$0x0];
	_ =	sdelay $0x2  }
0xbe: {  	s31 =	sshll.u32 s1, $0xD;
	s1 =	sshrl.u32 s1, $0x2  }
0xbf: {  	s3 =	sand.u32 $0x4000, s31;
	s1 =	sadd.s32 s1, s30  }
0xc0: {  	s0 =	sor.u32 s3, s0;
	s1 =	sshll.u32 s1, $0x11  }
0xc1: {  	s0 =	sor.u32 s1, s0  }
0xc2: {  	s0 =	sadd.s32 $0x8F2B, s0  }
0xc3: {  	[sflag:s0] =	ssyncadd.remote.s32 $0x1  }
0xc4: {  	_ =	sfence.sel $0xFFFF  }
0xc5: {  	[dreg:$0x0] =	wrdreg $0xFFFFFFFF;
	(pc) =	sbr.abs _section_cstart, $3  }
0xc6: {  	[dreg:$0x1] =	wrdreg $0xFFFFFFFF  }
0xc7: {  	_ =	task.clear_ibuf [dreg:s7], $0x2FFFF;
	_ =	strace $0x9FFFFFFF  }
0xc8: {  	(tm) =	ssettm $0x7FFFFFFF  }
0xc9: {  	_ =	shalt  }
tec
execute0_lowered:
.L_overlay_start_1:
0x0: {  	(tag) =	ssettag $0x1  }
0x1: {  	s1 =	srdreg.scid;
	s2 =	rddreg [dreg:$0x0]  }
0x2: {  	s0 =	stileid.u32;
	s8 =	rddreg [dreg:$0x1];
	s6 =	sand.u32 $0x1, s1  }
0x3: {  	s3 =	simm.s32 $0x0;
	s4 =	sshll.u32 s0, $0x9;
	s5 =	sshll.u32 s6, $0x8  }
0x4: {  	s7 =	simm.s32 $0x1;
	[smem:$0x7FF] =	sst s3;
	s9 =	sor.u32 s5, s4  }
0x5: {  	s1 =	rddreg [dreg:$0x2];
	_ =	strace $0x80000047;
	s4 =	sshrl.u32 s9, $0x3  }
0x6: {  	s10 =	ssub.s32 $0x2, s6;
	s5 =	sadd.s32 s8, s4;
	s4 =	simm.s32 $0x2  }
0x7: {  	[tilespmem:s3], [sflag:$0x2] =	stream.linear.gather [hbm4b:s5+s3], $0x100, $0x38;
	[tilespmem:$0x2100] =	vst v63  }
0x8: {  	s6 =	simm.s32 $0x100;
	s11 =	sshrl.u32 s10, $0x1;
	_ =	swait.ge [sflag:s4], $0x100  }
0x9: {  	s9 =	sshll.u32 s9, $0x2;
	s31 =	ssub.s32 s10, s11;
	[sflag:s4] =	ssyncset.done $0x0  }
0xa: {  	s8 =	sadd.s32 s9, s8;
	s9 =	smax.u32 s31, $0x1;
	[sflag:s4] =	ssyncadd.s32 $0xFFFFFF00  }
0xb: {  	[tilespmem:s6], [sflag:$0x1] =	stream.indirect.gather [hbm4b:s2+s6], $0x20, s3, s6, $0xb8;
	[tilespmem:$0x2100] =	vst v63  }
0xc: {  	p0 =	sne.s32 s9, $0x1;
	_ =	swait.ge [sflag:s7], $0x2000  }
.Ltmp0:
0xd: {  	[sflag:s7] =	ssyncset.done $0x0;
	(pc) =	sbr.rel @!p0 .LBB2_2-.Ltmp0, $4  }
0xe: {  	s8 =	sadd.s32 $0x400, s8;
	[sflag:s7] =	ssyncadd.s32 $0xFFFFE000  }
0xf: {  	[hbm4b:s8+s3] =	stream.linear.scatter [tilespmem:s6], [sflag:$0x2], $0x2000, $0x38;
	[tilespmem:$0x2100] =	vst v63  }
0x10: {  	_ =	swait.ge [sflag:s4], $0x2000  }
0x11: {  	s9 =	sadd.s32 $0xFFFFFFFF, s9;
	[sflag:s4] =	ssyncset.done $0x0  }
.LBB2_1:
0x12: {  	p0 =	sne.s32 s9, $0x1;
	s9 =	sadd.s32 $0xFFFFFFFF, s9;
	[sflag:s4] =	ssyncadd.s32 $0xFFFFE000  }
0x13: {  	[tilespmem:s3], [sflag:$0x2] =	stream.linear.gather [hbm4b:s5+s3], $0x100, $0x38;
	[tilespmem:$0x2100] =	vst v63  }
0x14: {  	_ =	swait.ge [sflag:s4], $0x100  }
0x15: {  	[sflag:s4] =	ssyncset.done $0x0  }
0x16: {  	[sflag:s4] =	ssyncadd.s32 $0xFFFFFF00  }
0x17: {  	[tilespmem:s6], [sflag:$0x1] =	stream.indirect.gather [hbm4b:s2+s6], $0x20, s3, s6, $0xb8;
	[tilespmem:$0x2100] =	vst v63  }
0x18: {  	_ =	swait.ge [sflag:s7], $0x2000  }
.Ltmp1:
0x19: {  	[sflag:s7] =	ssyncset.done $0x0;
	(pc) =	sbr.rel @p0 .LBB2_1-.Ltmp1, $4  }
0x1a: {  	[sflag:s7] =	ssyncadd.s32 $0xFFFFE000  }
0x1b: {  	[hbm4b:s8+s3] =	stream.linear.scatter [tilespmem:s6], [sflag:$0x2], $0x2000, $0x38;
	[tilespmem:$0x2100] =	vst v63  }
0x1c: {  	_ =	swait.ge [sflag:s4], $0x2000  }
0x1d: {  	[sflag:s4] =	ssyncset.done $0x0  }
.LBB2_2:
0x1e: {  	[sflag:s4] =	ssyncadd.s32 $0xFFFFE000  }
0x1f: {  	_ =	sfence.sel $0x180000  }
0x20: {  	[bflag:$0x0] =	sbarrier.arrive $0xFFFF  }
0x21: {  	p0 =	sne.s32 s0, $0x0;
	_ =	strace $0x90000047  }
0x22: {  	s0 =	sadd.s32 @!p0 $0x100000, s1;
	[bflag:$0x2] =	sbarrier.arrive $0xFFFF  }
0x23: {  	[sflag:s0] =	ssyncadd.tile.s32 @!p0 $0x1;
	_ =	shalt  }
.Lfunc_end2:
_tile_overlayer_lowered:
.L_overlay_start_2:
0x24: {  	(tag) =	ssettag $0x2  }
0x25: {  	s0 =	rddreg [dreg:$0x0];
	s2 =	stileid.u32  }
0x26: {  	s1 =	rddreg [dreg:$0x1];
	p0 =	sne.s32 s2, $0x0  }
0x27: {  	s3 =	rddreg [dreg:$0x2];
	[bflag:$0x3] =	sbarrier.arrive $0xFFFF;
	s2 =	simm.s32 @!p0 $0x1C02  }
0x28: {  	[timem:s3], [sflag:s2] =	dma.local @!p0 [hbm:s0], s1  }
0x29: {  	s0 =	simm.s32 @!p0 $0x2  }
0x2a: {  	_ =	swait.ge @!p0 [sflag:s0], s1  }
0x2b: {  	s1 =	ssub.s32 @!p0 $0x0, s1;
	[sflag:s0] =	ssyncset.done @!p0 $0x0  }
0x2c: {  	[sflag:s0] =	ssyncadd.s32 @!p0 s1  }
0x2d: {  	[bflag:$0x3] =	sbarrier.arrive $0xFFFF  }
0x2e: {  	_ =	shalt  }

</sc_bundles>
